<compile_context>
chip_gen: v7x
topology: tpu7x:2x2x1
jax: 0.10.2.dev20260603
libtpu: 0.0.44.dev20260713+nightly
codegen_flags: <defaults>
</compile_context>

<pallas_src>
import functools

import jax
import jax.numpy as jnp
from jax import lax
from jax.experimental import pallas as pl
from jax.experimental.pallas import tpu as pltpu
from jax.experimental.pallas import tpu_sc as plsc

N = 10000
E = 160000
D = 256
DH = 128
NP_ = 10240
EP = 163840
NS = 16
CHUNK = 128
CH_PER_SUB = EP // (NS * CHUNK)
NPH = 5
CPP = CH_PER_SUB // NPH
ROWS_PER_SUB = NP_ // NS
MMB = 1024
FB = 1000

@functools.cache
def _mesh():
    return plsc.VectorSubcoreMesh(core_axis_name="c", subcore_axis_name="s",
                                  num_cores=2, num_subcores=NS)



def _mm_body(x_ref, deg_ref, w_ref, h2a_ref, h2b_ref):
    dis = lax.rsqrt(deg_ref[...] + 1.0)
    h2 = jnp.dot(x_ref[...], w_ref[...],
                 preferred_element_type=jnp.float32) * dis
    h2a_ref[...] = h2[:, :DH]
    h2b_ref[...] = h2[:, DH:]


def _matmul_scale(x, deg_col, W):
    return pl.pallas_call(
        _mm_body,
        grid=(NP_ // MMB,),
        in_specs=[pl.BlockSpec((MMB, D), lambda i: (i, 0)),
                  pl.BlockSpec((MMB, 1), lambda i: (i, 0)),
                  pl.BlockSpec((D, D), lambda i: (0, 0))],
        out_specs=[pl.BlockSpec((MMB, DH), lambda i: (i, 0)),
                   pl.BlockSpec((MMB, DH), lambda i: (i, 0))],
        out_shape=[jax.ShapeDtypeStruct((NP_, DH), jnp.float32),
                   jax.ShapeDtypeStruct((NP_, DH), jnp.float32)],
    )(x, deg_col, W)



def _deg_sc(dst2):
    @functools.partial(
        pl.kernel,
        out_type=jax.ShapeDtypeStruct((NP_,), jnp.float32),
        mesh=_mesh(),
        scratch_types=[
            pltpu.VMEM((CH_PER_SUB, CHUNK), jnp.int32),
            pltpu.VMEM((CHUNK,), jnp.float32),
            pltpu.VMEM((ROWS_PER_SUB,), jnp.float32),
            pltpu.VMEM_SHARED((NP_,), jnp.float32),
        ],
    )
    def k(dst_hbm, deg_hbm, idx_v, ones_v, zero_v, deg_sp):
        cid = lax.axis_index("c")
        sid = lax.axis_index("s")

        @pl.when(cid == 0)
        def _():
            @pl.loop(0, CHUNK, step=16)
            def _(i):
                ones_v[pl.ds(i, 16)] = jnp.ones((16,), jnp.float32)

            @pl.loop(0, ROWS_PER_SUB, step=16)
            def _(i):
                zero_v[pl.ds(i, 16)] = jnp.zeros((16,), jnp.float32)

            base = sid * ROWS_PER_SUB
            pltpu.sync_copy(zero_v, deg_sp.at[pl.ds(base, ROWS_PER_SUB)])
            plsc.subcore_barrier()
            pltpu.sync_copy(dst_hbm.at[pl.ds(sid * CH_PER_SUB, CH_PER_SUB)],
                            idx_v)

            @pl.loop(0, CH_PER_SUB)
            def _(j):
                pltpu.sync_copy(ones_v, deg_sp.at[idx_v.at[j]], add=True)

            plsc.subcore_barrier()
            pltpu.sync_copy(deg_sp.at[pl.ds(base, ROWS_PER_SUB)],
                            deg_hbm.at[pl.ds(base, ROWS_PER_SUB)])

    return k(dst2)



def _scatter_sc(h2a, h2b, src2, dst2):
    @functools.partial(
        pl.kernel,
        out_type=(jax.ShapeDtypeStruct((NP_, DH), jnp.float32),
                  jax.ShapeDtypeStruct((NP_, DH), jnp.float32)),
        mesh=_mesh(),
        scratch_types=[
            pltpu.VMEM((CPP, CHUNK), jnp.int32),
            pltpu.VMEM((CPP, CHUNK), jnp.int32),
            pltpu.VMEM((CHUNK, DH), jnp.float32),
            pltpu.VMEM((CHUNK, DH), jnp.float32),
            pltpu.VMEM_SHARED((NP_, DH), jnp.float32),
            pltpu.SemaphoreType.DMA,
            pltpu.SemaphoreType.DMA,
        ],
    )
    def k(h2a_hbm, h2b_hbm, src_hbm, dst_hbm, s0_hbm, s1_hbm,
          isrc, idst, buf0, buf1, acc, sem0, sem1):
        cid = lax.axis_index("c")
        sid = lax.axis_index("s")
        base = sid * ROWS_PER_SUB

        def run(h2_hbm, out_hbm):
            pltpu.async_copy(h2_hbm.at[pl.ds(base, ROWS_PER_SUB)],
                             acc.at[pl.ds(base, ROWS_PER_SUB)], sem0)
            pltpu.sync_copy(src_hbm.at[pl.ds(sid * CH_PER_SUB, CPP)], isrc)
            pltpu.sync_copy(dst_hbm.at[pl.ds(sid * CH_PER_SUB, CPP)], idst)
            pltpu.make_async_copy(h2_hbm.at[pl.ds(base, ROWS_PER_SUB)],
                                  acc.at[pl.ds(base, ROWS_PER_SUB)],
                                  sem0).wait()
            plsc.subcore_barrier()

            @pl.loop(0, NPH)
            def _(p):
                pbase = sid * CH_PER_SUB + p * CPP

                @pl.when(p > 0)
                def _():
                    pltpu.sync_copy(src_hbm.at[pl.ds(pbase, CPP)], isrc)
                    pltpu.sync_copy(dst_hbm.at[pl.ds(pbase, CPP)], idst)

                pltpu.async_copy(h2_hbm.at[isrc.at[0]], buf0, sem0)
                pltpu.async_copy(h2_hbm.at[isrc.at[1]], buf1, sem1)

                @pl.loop(0, CPP, step=2)
                def _(j):
                    pltpu.make_async_copy(h2_hbm.at[isrc.at[j]], buf0,
                                          sem0).wait()
                    pltpu.sync_copy(buf0, acc.at[idst.at[j]], add=True)

                    @pl.when(j + 2 < CPP)
                    def _():
                        pltpu.async_copy(h2_hbm.at[isrc.at[j + 2]], buf0, sem0)

                    pltpu.make_async_copy(h2_hbm.at[isrc.at[j + 1]], buf1,
                                          sem1).wait()
                    pltpu.sync_copy(buf1, acc.at[idst.at[j + 1]], add=True)

                    @pl.when(j + 3 < CPP)
                    def _():
                        pltpu.async_copy(h2_hbm.at[isrc.at[j + 3]], buf1, sem1)

            plsc.subcore_barrier()
            pltpu.sync_copy(acc.at[pl.ds(base, ROWS_PER_SUB)],
                            out_hbm.at[pl.ds(base, ROWS_PER_SUB)])

        @pl.when(cid == 0)
        def _():
            run(h2a_hbm, s0_hbm)

        @pl.when(cid == 1)
        def _():
            run(h2b_hbm, s1_hbm)

    return k(h2a, h2b, src2, dst2)



def _final_body(s0_ref, s1_ref, x_ref, deg_ref, b_ref,
                g_ref, bt_ref, o_ref):
    dis = lax.rsqrt(deg_ref[...] + 1.0)
    pre = jnp.concatenate([s0_ref[...], s1_ref[...]], axis=1)
    pre = pre * dis + b_ref[...]
    mu = jnp.mean(pre, axis=-1, keepdims=True)
    var = jnp.mean((pre - mu) ** 2, axis=-1, keepdims=True)
    y = (pre - mu) / jnp.sqrt(var + 1e-5) * g_ref[...] + bt_ref[...]
    o_ref[...] = y * 0.5 * (1.0 + lax.erf(y * 0.7071067811865476)) + x_ref[...]


def _final(s0, s1, x, deg_col, b, gamma, beta):
    vec = pl.BlockSpec((1, D), lambda i: (0, 0))
    half = pl.BlockSpec((FB, DH), lambda i: (i, 0))
    return pl.pallas_call(
        _final_body,
        grid=(N // FB,),
        in_specs=[half, half,
                  pl.BlockSpec((FB, D), lambda i: (i, 0)),
                  pl.BlockSpec((FB, 1), lambda i: (i, 0)),
                  vec, vec, vec],
        out_specs=pl.BlockSpec((FB, D), lambda i: (i, 0)),
        out_shape=jax.ShapeDtypeStruct((N, D), jnp.float32),
    )(s0, s1, x, deg_col, b, gamma, beta)



def kernel(x, edge_index, W, b, gamma, beta):
    src = edge_index[0].astype(jnp.int32)
    dst = edge_index[1].astype(jnp.int32)
    pad = (jnp.arange(EP - E, dtype=jnp.int32) % (NP_ - N)) + N
    src2 = jnp.concatenate([src, pad]).reshape(EP // CHUNK, CHUNK)
    dst2 = jnp.concatenate([dst, pad]).reshape(EP // CHUNK, CHUNK)

    deg = _deg_sc(dst2)
    deg_col = deg.reshape(NP_, 1)
    xp = jnp.concatenate([x, jnp.zeros((NP_ - N, D), jnp.float32)])
    h2a, h2b = _matmul_scale(xp, deg_col, W)
    s0, s1 = _scatter_sc(h2a, h2b, src2, dst2)
    return _final(s0, s1, x, deg_col, b.reshape(1, D),
                  gamma.reshape(1, D), beta.reshape(1, D))

# --- scband reference (transcript-rebuilt; emitter-appended) ---
"""Pipeline reference for scband-gcnresidual-block-24369644437900 (READ-ONLY COPY).

The authoritative reference and input builder live on the scoring server;
editing this copy changes nothing except your own understanding.
"""

import jax, jax.numpy as jnp
import numpy as np

N_NODES = 10000
N_EDGES = 160000
D_IN = 256
D_OUT = 256

def setup_inputs(seed: int = 0) -> dict:
    key = jax.random.key(seed)
    k1, k2, k3, k4, k5, k6 = jax.random.split(key, 6)
    x = jax.random.normal(k1, (N_NODES, D_IN), dtype=jnp.float32)
    edge_index = jax.random.randint(k2, (2, N_EDGES), 0, N_NODES, dtype=jnp.int64)
    # GCNConv weight (glorot) and bias (zeros in PyG)
    limit = float(np.sqrt(6.0 / (D_IN + D_OUT)))
    W = jax.random.uniform(k3, (D_IN, D_OUT), minval=-limit, maxval=limit, dtype=jnp.float32)
    b = jnp.zeros((D_OUT,), dtype=jnp.float32)
    # LayerNorm params
    gamma = jnp.ones((D_OUT,), dtype=jnp.float32)
    beta = jnp.zeros((D_OUT,), dtype=jnp.float32)
    return {"x": x, "edge_index": edge_index, "W": W, "b": b, "gamma": gamma, "beta": beta}

def reference(x, edge_index, W, b, gamma, beta):
    N = x.shape[0]
    # --- GCNConv(add_self_loops=True, normalize=True) ---
    src = edge_index[0]
    dst = edge_index[1]
    loop = jnp.arange(N, dtype=edge_index.dtype)
    src = jnp.concatenate([src, loop])
    dst = jnp.concatenate([dst, loop])
    # symmetric normalization: deg computed on dst (col) of A + I
    deg = jnp.zeros((N,), dtype=x.dtype).at[dst].add(1.0)
    deg_inv_sqrt = jnp.where(deg > 0, deg ** -0.5, 0.0)
    norm = deg_inv_sqrt[src] * deg_inv_sqrt[dst]
    h = x @ W
    msg = h[src] * norm[:, None]
    out = jnp.zeros((N, h.shape[1]), dtype=x.dtype).at[dst].add(msg)
    out = out + b
    # --- LayerNorm ---
    mu = jnp.mean(out, axis=-1, keepdims=True)
    var = jnp.mean((out - mu) ** 2, axis=-1, keepdims=True)
    out = (out - mu) / jnp.sqrt(var + 1e-5) * gamma + beta
    # --- GELU (torch nn.GELU default = exact erf form) ---
    out = jax.nn.gelu(out, approximate=False)
    # dropout is identity at inference
    # --- residual (in_channels == out_channels, no transform) ---
    out = out + x
    return out

if __name__ == "__main__":
    import jax
    _d = setup_inputs()
    print(jax.jit(kernel)(*tuple(_d.values())))

</pallas_src>

<mosaic_0001>
#map = affine_map<(d0, d1) -> (0, 0)>
#map1 = affine_map<(d0, d1) -> (0)>
module attributes {stable_mosaic.version = 14 : i64} {
  func.func @k(%arg0: i32, %arg1: i32, %arg2: memref<1280x128xi32, #tpu.memory_space<hbm>>, %arg3: memref<10240xf32, #tpu.memory_space<hbm>>, %arg4: memref<80x128xi32, #tpu.memory_space<vmem>>, %arg5: memref<128xf32, #tpu.memory_space<vmem>>, %arg6: memref<640xf32, #tpu.memory_space<vmem>>, %arg7: memref<10240xf32, #tpu.memory_space<vmem_shared>>) attributes {dimension_semantics = [#tpu.dimension_semantics<core_parallel>, #tpu.dimension_semantics<subcore_parallel>], iteration_bounds = array<i64: 2, 16>, scalar_prefetch = 0 : i64, scratch_operands = 4 : i64, tpu.core_type = #tpu.core_type<sc_vector_subcore>, window_params = [{transform_indices = #map}, {transform_indices = #map1}]} {
    %eq3A = arith.constant 0 : i32
    %eq3A_0 = arith.cmpi eq, %arg0, %eq3A : i32
    %convert_element_type3A = arith.extui %eq3A_0 : i1 to i32
    %cond3A = arith.constant 0 : i32
    %cond3A_1 = arith.cmpi ne, %convert_element_type3A, %cond3A : i32
    scf.if %cond3A_1 {
      %scan3A = arith.constant 0 : i32
      %scan3A_2 = arith.constant 8 : i32
      %scan3A_3 = arith.addi %scan3A, %scan3A_2 : i32
      %scan3A_4 = arith.constant 1 : i32
      scf.for %scan3A_20 = %scan3A to %scan3A_3 step %scan3A_4  : i32 {
        %mul3A_21 = arith.constant 16 : i32
        %mul3A_22 = arith.muli %scan3A_20, %mul3A_21 : i32
        %add3A = arith.constant 0 : i32
        %add3A_23 = arith.addi %add3A, %mul3A_22 : i32
        %broadcast_in_dim3A = arith.constant 1.000000e+00 : f32
        %broadcast_in_dim3A_24 = vector.broadcast %broadcast_in_dim3A : f32 to vector<16xf32>
        %swap3A = arith.index_cast %add3A_23 : i32 to index
        %swap3A_25 = tpu.vector_load %arg5[%swap3A] {strides = array<i32>} : memref<128xf32, #tpu.memory_space<vmem>>, vector<16xf32>,
        %swap3A_26 = vector.shape_cast %swap3A_25 : vector<16xf32> to vector<16xf32>
        %swap3A_27 = vector.shape_cast %broadcast_in_dim3A_24 : vector<16xf32> to vector<16xf32>
        tpu.vector_store %arg5[%swap3A], %swap3A_27 {strides = array<i32>} : memref<128xf32, #tpu.memory_space<vmem>>, vector<16xf32>,
      }
      %scan3A_5 = arith.constant 8 : i32
      %scan3A_6 = arith.constant 0 : i32
      %scan3A_7 = arith.constant 40 : i32
      %scan3A_8 = arith.addi %scan3A_6, %scan3A_7 : i32
      %scan3A_9 = arith.constant 1 : i32
      scf.for %scan3A_20 = %scan3A_6 to %scan3A_8 step %scan3A_9  : i32 {
        %mul3A_21 = arith.constant 16 : i32
        %mul3A_22 = arith.muli %scan3A_20, %mul3A_21 : i32
        %add3A = arith.constant 0 : i32
        %add3A_23 = arith.addi %add3A, %mul3A_22 : i32
        %broadcast_in_dim3A = arith.constant 0.000000e+00 : f32
        %broadcast_in_dim3A_24 = vector.broadcast %broadcast_in_dim3A : f32 to vector<16xf32>
        %swap3A = arith.index_cast %add3A_23 : i32 to index
        %swap3A_25 = tpu.vector_load %arg6[%swap3A] {strides = array<i32>} : memref<640xf32, #tpu.memory_space<vmem>>, vector<16xf32>,
        %swap3A_26 = vector.shape_cast %swap3A_25 : vector<16xf32> to vector<16xf32>
        %swap3A_27 = vector.shape_cast %broadcast_in_dim3A_24 : vector<16xf32> to vector<16xf32>
        tpu.vector_store %arg6[%swap3A], %swap3A_27 {strides = array<i32>} : memref<640xf32, #tpu.memory_space<vmem>>, vector<16xf32>,
      }
      %scan3A_10 = arith.constant 40 : i32
      %mul3A = arith.constant 640 : i32
      %mul3A_11 = arith.muli %arg1, %mul3A : i32
      "tpu.region"() ({
        %run_scoped3A = tpu.sem_alloc : memref<!tpu.dma_semaphore, #tpu.memory_space<semaphore_mem>>
        %dma_start3A = tpu.memref_slice %arg7[%mul3A_11] : memref<10240xf32, #tpu.memory_space<vmem_shared>> -> memref<640xf32, #tpu.memory_space<vmem_shared>>
        %dma_start3A_20 = tpu.memref_slice %arg7[%mul3A_11] : memref<10240xf32, #tpu.memory_space<vmem_shared>> -> memref<640xf32, #tpu.memory_space<vmem_shared>>
        tpu.enqueue_dma source(%arg6 : memref<640xf32, #tpu.memory_space<vmem>>) target(%dma_start3A_20 : memref<640xf32, #tpu.memory_space<vmem_shared>>) target_semaphore(%run_scoped3A : memref<!tpu.dma_semaphore, #tpu.memory_space<semaphore_mem>>)
        %dma_wait3A = tpu.memref_slice %arg7[%mul3A_11] : memref<10240xf32, #tpu.memory_space<vmem_shared>> -> memref<640xf32, #tpu.memory_space<vmem_shared>>
        %dma_wait3A_21 = tpu.memref_slice %arg7[%mul3A_11] : memref<10240xf32, #tpu.memory_space<vmem_shared>> -> memref<640xf32, #tpu.memory_space<vmem_shared>>
        tpu.wait_dma2 semaphore(%run_scoped3A : memref<!tpu.dma_semaphore, #tpu.memory_space<semaphore_mem>>) src(%arg6 : memref<640xf32, #tpu.memory_space<vmem>>) dst(%dma_wait3A_21 : memref<640xf32, #tpu.memory_space<vmem_shared>>)
        tpu.yield
      }) : () -> ()
      %barrier3A = arith.constant 0 : index
      tpu.barrier barrier_id(%barrier3A)
      %mul3A_12 = arith.constant 80 : i32
      %mul3A_13 = arith.muli %arg1, %mul3A_12 : i32
      "tpu.region"() ({
        %run_scoped3A = tpu.sem_alloc : memref<!tpu.dma_semaphore, #tpu.memory_space<semaphore_mem>>
        %dma_start3A = arith.constant 0 : i32
        %dma_start3A_20 = tpu.memref_slice %arg2[%mul3A_13, %dma_start3A] : memref<1280x128xi32, #tpu.memory_space<hbm>> -> memref<80x128xi32, #tpu.memory_space<hbm>>
        %dma_start3A_21 = arith.constant 0 : i32
        %dma_start3A_22 = tpu.memref_slice %arg2[%mul3A_13, %dma_start3A_21] : memref<1280x128xi32, #tpu.memory_space<hbm>> -> memref<80x128xi32, #tpu.memory_space<hbm>>
        tpu.enqueue_dma source(%dma_start3A_22 : memref<80x128xi32, #tpu.memory_space<hbm>>) target(%arg4 : memref<80x128xi32, #tpu.memory_space<vmem>>) target_semaphore(%run_scoped3A : memref<!tpu.dma_semaphore, #tpu.memory_space<semaphore_mem>>)
        %dma_wait3A = arith.constant 0 : i32
        %dma_wait3A_23 = tpu.memref_slice %arg2[%mul3A_13, %dma_wait3A] : memref<1280x128xi32, #tpu.memory_space<hbm>> -> memref<80x128xi32, #tpu.memory_space<hbm>>
        %dma_wait3A_24 = arith.constant 0 : i32
        %dma_wait3A_25 = tpu.memref_slice %arg2[%mul3A_13, %dma_wait3A_24] : memref<1280x128xi32, #tpu.memory_space<hbm>> -> memref<80x128xi32, #tpu.memory_space<hbm>>
        tpu.wait_dma2 semaphore(%run_scoped3A : memref<!tpu.dma_semaphore, #tpu.memory_space<semaphore_mem>>) src(%dma_wait3A_25 : memref<80x128xi32, #tpu.memory_space<hbm>>) dst(%arg4 : memref<80x128xi32, #tpu.memory_space<vmem>>)
        tpu.yield
      }) : () -> ()
      %scan3A_14 = arith.constant 0 : i32
      %scan3A_15 = arith.constant 80 : i32
      %scan3A_16 = arith.addi %scan3A_14, %scan3A_15 : i32
      %scan3A_17 = arith.constant 1 : i32
      scf.for %scan3A_20 = %scan3A_14 to %scan3A_16 step %scan3A_17  : i32 {
        %mul3A_21 = arith.constant 1 : i32
        %mul3A_22 = arith.muli %scan3A_20, %mul3A_21 : i32
        %add3A = arith.constant 0 : i32
        %add3A_23 = arith.addi %add3A, %mul3A_22 : i32
        "tpu.region"() ({
          %run_scoped3A = tpu.sem_alloc : memref<!tpu.dma_semaphore, #tpu.memory_space<semaphore_mem>>
          %dma_start3A = arith.constant 0 : i32
          %dma_start3A_24 = tpu.memref_slice %arg4[%add3A_23, %dma_start3A] : memref<80x128xi32, #tpu.memory_space<vmem>> -> memref<1x128xi32, #tpu.memory_space<vmem>>
          %dma_start3A_25 = tpu.memref_squeeze %dma_start3A_24 : memref<1x128xi32, #tpu.memory_space<vmem>> -> memref<128xi32, #tpu.memory_space<vmem>>
          %dma_start3A_26 = arith.constant 0 : i32
          %dma_start3A_27 = tpu.memref_slice %arg7[%dma_start3A_26] : memref<10240xf32, #tpu.memory_space<vmem_shared>> -> memref<10240xf32, #tpu.memory_space<vmem_shared>>
          tpu.enqueue_indirect_dma source(%arg5 : memref<128xf32, #tpu.memory_space<vmem>>) target(%dma_start3A_27 : memref<10240xf32, #tpu.memory_space<vmem_shared>>) offsets(%dma_start3A_25 : memref<128xi32, #tpu.memory_space<vmem>>) semaphore(%run_scoped3A : memref<!tpu.dma_semaphore, #tpu.memory_space<semaphore_mem>>) {add = true}
          %dma_wait3A = arith.constant 0 : i32
          %dma_wait3A_28 = tpu.memref_slice %arg4[%add3A_23, %dma_wait3A] : memref<80x128xi32, #tpu.memory_space<vmem>> -> memref<1x128xi32, #tpu.memory_space<vmem>>
          %dma_wait3A_29 = tpu.memref_squeeze %dma_wait3A_28 : memref<1x128xi32, #tpu.memory_space<vmem>> -> memref<128xi32, #tpu.memory_space<vmem>>
          %dma_wait3A_30 = arith.constant 0 : i32
          %dma_wait3A_31 = tpu.memref_slice %arg7[%dma_wait3A_30] : memref<10240xf32, #tpu.memory_space<vmem_shared>> -> memref<10240xf32, #tpu.memory_space<vmem_shared>>
          tpu.wait_indirect_dma semaphore(%run_scoped3A : memref<!tpu.dma_semaphore, #tpu.memory_space<semaphore_mem>>) src(%arg5 : memref<128xf32, #tpu.memory_space<vmem>>) dst(%dma_wait3A_31 : memref<10240xf32, #tpu.memory_space<vmem_shared>>)
          tpu.yield
        }) : () -> ()
      }
      %scan3A_18 = arith.constant 80 : i32
      %barrier3A_19 = arith.constant 0 : index
      tpu.barrier barrier_id(%barrier3A_19)
      "tpu.region"() ({
        %run_scoped3A = tpu.sem_alloc : memref<!tpu.dma_semaphore, #tpu.memory_space<semaphore_mem>>
        %dma_start3A = tpu.memref_slice %arg3[%mul3A_11] : memref<10240xf32, #tpu.memory_space<hbm>> -> memref<640xf32, #tpu.memory_space<hbm>>
        %dma_start3A_20 = tpu.memref_slice %arg7[%mul3A_11] : memref<10240xf32, #tpu.memory_space<vmem_shared>> -> memref<640xf32, #tpu.memory_space<vmem_shared>>
        tpu.enqueue_dma source(%dma_start3A_20 : memref<640xf32, #tpu.memory_space<vmem_shared>>) target(%dma_start3A : memref<640xf32, #tpu.memory_space<hbm>>) target_semaphore(%run_scoped3A : memref<!tpu.dma_semaphore, #tpu.memory_space<semaphore_mem>>)
        %dma_wait3A = tpu.memref_slice %arg3[%mul3A_11] : memref<10240xf32, #tpu.memory_space<hbm>> -> memref<640xf32, #tpu.memory_space<hbm>>
        %dma_wait3A_21 = tpu.memref_slice %arg7[%mul3A_11] : memref<10240xf32, #tpu.memory_space<vmem_shared>> -> memref<640xf32, #tpu.memory_space<vmem_shared>>
        tpu.wait_dma2 semaphore(%run_scoped3A : memref<!tpu.dma_semaphore, #tpu.memory_space<semaphore_mem>>) src(%dma_wait3A_21 : memref<640xf32, #tpu.memory_space<vmem_shared>>) dst(%dma_wait3A : memref<640xf32, #tpu.memory_space<hbm>>)
        tpu.yield
      }) : () -> ()
    } else {
    }
    return
  }
}

#map = affine_map<(d0, d1) -> (0, 0)>
module attributes {stable_mosaic.version = 14 : i64} {
  func.func @k(%arg0: i32, %arg1: i32, %arg2: memref<10240x128xf32, #tpu.memory_space<hbm>>, %arg3: memref<10240x128xf32, #tpu.memory_space<hbm>>, %arg4: memref<1280x128xi32, #tpu.memory_space<hbm>>, %arg5: memref<1280x128xi32, #tpu.memory_space<hbm>>, %arg6: memref<10240x128xf32, #tpu.memory_space<hbm>>, %arg7: memref<10240x128xf32, #tpu.memory_space<hbm>>, %arg8: memref<16x128xi32, #tpu.memory_space<vmem>>, %arg9: memref<16x128xi32, #tpu.memory_space<vmem>>, %arg10: memref<128x128xf32, #tpu.memory_space<vmem>>, %arg11: memref<128x128xf32, #tpu.memory_space<vmem>>, %arg12: memref<10240x128xf32, #tpu.memory_space<vmem_shared>>, %arg13: memref<!tpu.dma_semaphore, #tpu.memory_space<semaphore_mem>>, %arg14: memref<!tpu.dma_semaphore, #tpu.memory_space<semaphore_mem>>) attributes {dimension_semantics = [#tpu.dimension_semantics<core_parallel>, #tpu.dimension_semantics<subcore_parallel>], iteration_bounds = array<i64: 2, 16>, scalar_prefetch = 0 : i64, scratch_operands = 7 : i64, tpu.core_type = #tpu.core_type<sc_vector_subcore>, window_params = [{transform_indices = #map}, {transform_indices = #map}, {transform_indices = #map}, {transform_indices = #map}, {transform_indices = #map}, {transform_indices = #map}]} {
    %mul3A = arith.constant 640 : i32
    %mul3A_0 = arith.muli %arg1, %mul3A : i32
    %eq3A = arith.constant 0 : i32
    %eq3A_1 = arith.cmpi eq, %arg0, %eq3A : i32
    %convert_element_type3A = arith.extui %eq3A_1 : i1 to i32
    %cond3A = arith.constant 0 : i32
    %cond3A_2 = arith.cmpi ne, %convert_element_type3A, %cond3A : i32
    scf.if %cond3A_2 {
      %dma_start3A = arith.constant 0 : i32
      %dma_start3A_8 = tpu.memref_slice %arg12[%mul3A_0, %dma_start3A] : memref<10240x128xf32, #tpu.memory_space<vmem_shared>> -> memref<640x128xf32, #tpu.memory_space<vmem_shared>>
      %dma_start3A_9 = arith.constant 0 : i32
      %dma_start3A_10 = tpu.memref_slice %arg2[%mul3A_0, %dma_start3A_9] : memref<10240x128xf32, #tpu.memory_space<hbm>> -> memref<640x128xf32, #tpu.memory_space<hbm>>
      tpu.enqueue_dma source(%dma_start3A_10 : memref<640x128xf32, #tpu.memory_space<hbm>>) target(%dma_start3A_8 : memref<640x128xf32, #tpu.memory_space<vmem_shared>>) target_semaphore(%arg13 : memref<!tpu.dma_semaphore, #tpu.memory_space<semaphore_mem>>)
      %mul3A_11 = arith.constant 80 : i32
      %mul3A_12 = arith.muli %arg1, %mul3A_11 : i32
      "tpu.region"() ({
        %run_scoped3A = tpu.sem_alloc : memref<!tpu.dma_semaphore, #tpu.memory_space<semaphore_mem>>
        %dma_start3A_23 = arith.constant 0 : i32
        %dma_start3A_24 = tpu.memref_slice %arg4[%mul3A_12, %dma_start3A_23] : memref<1280x128xi32, #tpu.memory_space<hbm>> -> memref<16x128xi32, #tpu.memory_space<hbm>>
        %dma_start3A_25 = arith.constant 0 : i32
        %dma_start3A_26 = tpu.memref_slice %arg4[%mul3A_12, %dma_start3A_25] : memref<1280x128xi32, #tpu.memory_space<hbm>> -> memref<16x128xi32, #tpu.memory_space<hbm>>
        tpu.enqueue_dma source(%dma_start3A_26 : memref<16x128xi32, #tpu.memory_space<hbm>>) target(%arg8 : memref<16x128xi32, #tpu.memory_space<vmem>>) target_semaphore(%run_scoped3A : memref<!tpu.dma_semaphore, #tpu.memory_space<semaphore_mem>>)
        %dma_wait3A_27 = arith.constant 0 : i32
        %dma_wait3A_28 = tpu.memref_slice %arg4[%mul3A_12, %dma_wait3A_27] : memref<1280x128xi32, #tpu.memory_space<hbm>> -> memref<16x128xi32, #tpu.memory_space<hbm>>
        %dma_wait3A_29 = arith.constant 0 : i32
        %dma_wait3A_30 = tpu.memref_slice %arg4[%mul3A_12, %dma_wait3A_29] : memref<1280x128xi32, #tpu.memory_space<hbm>> -> memref<16x128xi32, #tpu.memory_space<hbm>>
        tpu.wait_dma2 semaphore(%run_scoped3A : memref<!tpu.dma_semaphore, #tpu.memory_space<semaphore_mem>>) src(%dma_wait3A_30 : memref<16x128xi32, #tpu.memory_space<hbm>>) dst(%arg8 : memref<16x128xi32, #tpu.memory_space<vmem>>)
        tpu.yield
      }) : () -> ()
      %mul3A_13 = arith.constant 80 : i32
      %mul3A_14 = arith.muli %arg1, %mul3A_13 : i32
      "tpu.region"() ({
        %run_scoped3A = tpu.sem_alloc : memref<!tpu.dma_semaphore, #tpu.memory_space<semaphore_mem>>
        %dma_start3A_23 = arith.constant 0 : i32
        %dma_start3A_24 = tpu.memref_slice %arg5[%mul3A_14, %dma_start3A_23] : memref<1280x128xi32, #tpu.memory_space<hbm>> -> memref<16x128xi32, #tpu.memory_space<hbm>>
        %dma_start3A_25 = arith.constant 0 : i32
        %dma_start3A_26 = tpu.memref_slice %arg5[%mul3A_14, %dma_start3A_25] : memref<1280x128xi32, #tpu.memory_space<hbm>> -> memref<16x128xi32, #tpu.memory_space<hbm>>
        tpu.enqueue_dma source(%dma_start3A_26 : memref<16x128xi32, #tpu.memory_space<hbm>>) target(%arg9 : memref<16x128xi32, #tpu.memory_space<vmem>>) target_semaphore(%run_scoped3A : memref<!tpu.dma_semaphore, #tpu.memory_space<semaphore_mem>>)
        %dma_wait3A_27 = arith.constant 0 : i32
        %dma_wait3A_28 = tpu.memref_slice %arg5[%mul3A_14, %dma_wait3A_27] : memref<1280x128xi32, #tpu.memory_space<hbm>> -> memref<16x128xi32, #tpu.memory_space<hbm>>
        %dma_wait3A_29 = arith.constant 0 : i32
        %dma_wait3A_30 = tpu.memref_slice %arg5[%mul3A_14, %dma_wait3A_29] : memref<1280x128xi32, #tpu.memory_space<hbm>> -> memref<16x128xi32, #tpu.memory_space<hbm>>
        tpu.wait_dma2 semaphore(%run_scoped3A : memref<!tpu.dma_semaphore, #tpu.memory_space<semaphore_mem>>) src(%dma_wait3A_30 : memref<16x128xi32, #tpu.memory_space<hbm>>) dst(%arg9 : memref<16x128xi32, #tpu.memory_space<vmem>>)
        tpu.yield
      }) : () -> ()
      %dma_wait3A = arith.constant 0 : i32
      %dma_wait3A_15 = tpu.memref_slice %arg12[%mul3A_0, %dma_wait3A] : memref<10240x128xf32, #tpu.memory_space<vmem_shared>> -> memref<640x128xf32, #tpu.memory_space<vmem_shared>>
      %dma_wait3A_16 = arith.constant 0 : i32
      %dma_wait3A_17 = tpu.memref_slice %arg2[%mul3A_0, %dma_wait3A_16] : memref<10240x128xf32, #tpu.memory_space<hbm>> -> memref<640x128xf32, #tpu.memory_space<hbm>>
      tpu.wait_dma2 semaphore(%arg13 : memref<!tpu.dma_semaphore, #tpu.memory_space<semaphore_mem>>) src(%dma_wait3A_17 : memref<640x128xf32, #tpu.memory_space<hbm>>) dst(%dma_wait3A_15 : memref<640x128xf32, #tpu.memory_space<vmem_shared>>)
      %barrier3A = arith.constant 0 : index
      tpu.barrier barrier_id(%barrier3A)
      %scan3A = arith.constant 0 : i32
      %scan3A_18 = arith.constant 5 : i32
      %scan3A_19 = arith.addi %scan3A, %scan3A_18 : i32
      %scan3A_20 = arith.constant 1 : i32
      scf.for %scan3A_23 = %scan3A to %scan3A_19 step %scan3A_20  : i32 {
        %mul3A_24 = arith.constant 1 : i32
        %mul3A_25 = arith.muli %scan3A_23, %mul3A_24 : i32
        %add3A = arith.constant 0 : i32
        %add3A_26 = arith.addi %add3A, %mul3A_25 : i32
        %mul3A_27 = arith.constant 80 : i32
        %mul3A_28 = arith.muli %arg1, %mul3A_27 : i32
        %mul3A_29 = arith.constant 16 : i32
        %mul3A_30 = arith.muli %add3A_26, %mul3A_29 : i32
        %add3A_31 = arith.addi %mul3A_28, %mul3A_30 : i32
        %gt3A = arith.constant 0 : i32
        %gt3A_32 = arith.cmpi sgt, %add3A_26, %gt3A : i32
        %convert_element_type3A_33 = arith.extui %gt3A_32 : i1 to i32
        %cond3A_34 = arith.constant 0 : i32
        %cond3A_35 = arith.cmpi ne, %convert_element_type3A_33, %cond3A_34 : i32
        scf.if %cond3A_35 {
          "tpu.region"() ({
            %run_scoped3A = tpu.sem_alloc : memref<!tpu.dma_semaphore, #tpu.memory_space<semaphore_mem>>
            %dma_start3A_55 = arith.constant 0 : i32
            %dma_start3A_56 = tpu.memref_slice %arg4[%add3A_31, %dma_start3A_55] : memref<1280x128xi32, #tpu.memory_space<hbm>> -> memref<16x128xi32, #tpu.memory_space<hbm>>
            %dma_start3A_57 = arith.constant 0 : i32
            %dma_start3A_58 = tpu.memref_slice %arg4[%add3A_31, %dma_start3A_57] : memref<1280x128xi32, #tpu.memory_space<hbm>> -> memref<16x128xi32, #tpu.memory_space<hbm>>
            tpu.enqueue_dma source(%dma_start3A_58 : memref<16x128xi32, #tpu.memory_space<hbm>>) target(%arg8 : memref<16x128xi32, #tpu.memory_space<vmem>>) target_semaphore(%run_scoped3A : memref<!tpu.dma_semaphore, #tpu.memory_space<semaphore_mem>>)
            %dma_wait3A_59 = arith.constant 0 : i32
            %dma_wait3A_60 = tpu.memref_slice %arg4[%add3A_31, %dma_wait3A_59] : memref<1280x128xi32, #tpu.memory_space<hbm>> -> memref<16x128xi32, #tpu.memory_space<hbm>>
            %dma_wait3A_61 = arith.constant 0 : i32
            %dma_wait3A_62 = tpu.memref_slice %arg4[%add3A_31, %dma_wait3A_61] : memref<1280x128xi32, #tpu.memory_space<hbm>> -> memref<16x128xi32, #tpu.memory_space<hbm>>
            tpu.wait_dma2 semaphore(%run_scoped3A : memref<!tpu.dma_semaphore, #tpu.memory_space<semaphore_mem>>) src(%dma_wait3A_62 : memref<16x128xi32, #tpu.memory_space<hbm>>) dst(%arg8 : memref<16x128xi32, #tpu.memory_space<vmem>>)
            tpu.yield
          }) : () -> ()
          "tpu.region"() ({
            %run_scoped3A = tpu.sem_alloc : memref<!tpu.dma_semaphore, #tpu.memory_space<semaphore_mem>>
            %dma_start3A_55 = arith.constant 0 : i32
            %dma_start3A_56 = tpu.memref_slice %arg5[%add3A_31, %dma_start3A_55] : memref<1280x128xi32, #tpu.memory_space<hbm>> -> memref<16x128xi32, #tpu.memory_space<hbm>>
            %dma_start3A_57 = arith.constant 0 : i32
            %dma_start3A_58 = tpu.memref_slice %arg5[%add3A_31, %dma_start3A_57] : memref<1280x128xi32, #tpu.memory_space<hbm>> -> memref<16x128xi32, #tpu.memory_space<hbm>>
            tpu.enqueue_dma source(%dma_start3A_58 : memref<16x128xi32, #tpu.memory_space<hbm>>) target(%arg9 : memref<16x128xi32, #tpu.memory_space<vmem>>) target_semaphore(%run_scoped3A : memref<!tpu.dma_semaphore, #tpu.memory_space<semaphore_mem>>)
            %dma_wait3A_59 = arith.constant 0 : i32
            %dma_wait3A_60 = tpu.memref_slice %arg5[%add3A_31, %dma_wait3A_59] : memref<1280x128xi32, #tpu.memory_space<hbm>> -> memref<16x128xi32, #tpu.memory_space<hbm>>
            %dma_wait3A_61 = arith.constant 0 : i32
            %dma_wait3A_62 = tpu.memref_slice %arg5[%add3A_31, %dma_wait3A_61] : memref<1280x128xi32, #tpu.memory_space<hbm>> -> memref<16x128xi32, #tpu.memory_space<hbm>>
            tpu.wait_dma2 semaphore(%run_scoped3A : memref<!tpu.dma_semaphore, #tpu.memory_space<semaphore_mem>>) src(%dma_wait3A_62 : memref<16x128xi32, #tpu.memory_space<hbm>>) dst(%arg9 : memref<16x128xi32, #tpu.memory_space<vmem>>)
            tpu.yield
          }) : () -> ()
        } else {
        }
        %dma_start3A_36 = arith.constant 0 : i32
        %dma_start3A_37 = arith.constant 0 : i32
        %dma_start3A_38 = tpu.memref_slice %arg8[%dma_start3A_36, %dma_start3A_37] : memref<16x128xi32, #tpu.memory_space<vmem>> -> memref<1x128xi32, #tpu.memory_space<vmem>>
        %dma_start3A_39 = tpu.memref_squeeze %dma_start3A_38 : memref<1x128xi32, #tpu.memory_space<vmem>> -> memref<128xi32, #tpu.memory_space<vmem>>
        %dma_start3A_40 = arith.constant 0 : i32
        %dma_start3A_41 = arith.constant 0 : i32
        %dma_start3A_42 = tpu.memref_slice %arg2[%dma_start3A_40, %dma_start3A_41] : memref<10240x128xf32, #tpu.memory_space<hbm>> -> memref<10240x128xf32, #tpu.memory_space<hbm>>
        tpu.enqueue_indirect_dma source(%dma_start3A_42 : memref<10240x128xf32, #tpu.memory_space<hbm>>) target(%arg10 : memref<128x128xf32, #tpu.memory_space<vmem>>) offsets(%dma_start3A_39 : memref<128xi32, #tpu.memory_space<vmem>>) semaphore(%arg13 : memref<!tpu.dma_semaphore, #tpu.memory_space<semaphore_mem>>)
        %dma_start3A_43 = arith.constant 1 : i32
        %dma_start3A_44 = arith.constant 0 : i32
        %dma_start3A_45 = tpu.memref_slice %arg8[%dma_start3A_43, %dma_start3A_44] : memref<16x128xi32, #tpu.memory_space<vmem>> -> memref<1x128xi32, #tpu.memory_space<vmem>>
        %dma_start3A_46 = tpu.memref_squeeze %dma_start3A_45 : memref<1x128xi32, #tpu.memory_space<vmem>> -> memref<128xi32, #tpu.memory_space<vmem>>
        %dma_start3A_47 = arith.constant 0 : i32
        %dma_start3A_48 = arith.constant 0 : i32
        %dma_start3A_49 = tpu.memref_slice %arg2[%dma_start3A_47, %dma_start3A_48] : memref<10240x128xf32, #tpu.memory_space<hbm>> -> memref<10240x128xf32, #tpu.memory_space<hbm>>
        tpu.enqueue_indirect_dma source(%dma_start3A_49 : memref<10240x128xf32, #tpu.memory_space<hbm>>) target(%arg11 : memref<128x128xf32, #tpu.memory_space<vmem>>) offsets(%dma_start3A_46 : memref<128xi32, #tpu.memory_space<vmem>>) semaphore(%arg14 : memref<!tpu.dma_semaphore, #tpu.memory_space<semaphore_mem>>)
        %scan3A_50 = arith.constant 0 : i32
        %scan3A_51 = arith.constant 8 : i32
        %scan3A_52 = arith.addi %scan3A_50, %scan3A_51 : i32
        %scan3A_53 = arith.constant 1 : i32
        scf.for %scan3A_55 = %scan3A_50 to %scan3A_52 step %scan3A_53  : i32 {
          %mul3A_56 = arith.constant 2 : i32
          %mul3A_57 = arith.muli %scan3A_55, %mul3A_56 : i32
          %add3A_58 = arith.constant 0 : i32
          %add3A_59 = arith.addi %add3A_58, %mul3A_57 : i32
          %dma_wait3A_60 = arith.constant 0 : i32
          %dma_wait3A_61 = tpu.memref_slice %arg8[%add3A_59, %dma_wait3A_60] : memref<16x128xi32, #tpu.memory_space<vmem>> -> memref<1x128xi32, #tpu.memory_space<vmem>>
          %dma_wait3A_62 = tpu.memref_squeeze %dma_wait3A_61 : memref<1x128xi32, #tpu.memory_space<vmem>> -> memref<128xi32, #tpu.memory_space<vmem>>
          %dma_wait3A_63 = arith.constant 0 : i32
          %dma_wait3A_64 = arith.constant 0 : i32
          %dma_wait3A_65 = tpu.memref_slice %arg2[%dma_wait3A_63, %dma_wait3A_64] : memref<10240x128xf32, #tpu.memory_space<hbm>> -> memref<10240x128xf32, #tpu.memory_space<hbm>>
          tpu.wait_indirect_dma semaphore(%arg13 : memref<!tpu.dma_semaphore, #tpu.memory_space<semaphore_mem>>) src(%dma_wait3A_65 : memref<10240x128xf32, #tpu.memory_space<hbm>>) dst(%arg10 : memref<128x128xf32, #tpu.memory_space<vmem>>)
          "tpu.region"() ({
            %run_scoped3A = tpu.sem_alloc : memref<!tpu.dma_semaphore, #tpu.memory_space<semaphore_mem>>
            %dma_start3A_89 = arith.constant 0 : i32
            %dma_start3A_90 = tpu.memref_slice %arg9[%add3A_59, %dma_start3A_89] : memref<16x128xi32, #tpu.memory_space<vmem>> -> memref<1x128xi32, #tpu.memory_space<vmem>>
            %dma_start3A_91 = tpu.memref_squeeze %dma_start3A_90 : memref<1x128xi32, #tpu.memory_space<vmem>> -> memref<128xi32, #tpu.memory_space<vmem>>
            %dma_start3A_92 = arith.constant 0 : i32
            %dma_start3A_93 = arith.constant 0 : i32
            %dma_start3A_94 = tpu.memref_slice %arg12[%dma_start3A_92, %dma_start3A_93] : memref<10240x128xf32, #tpu.memory_space<vmem_shared>> -> memref<10240x128xf32, #tpu.memory_space<vmem_shared>>
            tpu.enqueue_indirect_dma source(%arg10 : memref<128x128xf32, #tpu.memory_space<vmem>>) target(%dma_start3A_94 : memref<10240x128xf32, #tpu.memory_space<vmem_shared>>) offsets(%dma_start3A_91 : memref<128xi32, #tpu.memory_space<vmem>>) semaphore(%run_scoped3A : memref<!tpu.dma_semaphore, #tpu.memory_space<semaphore_mem>>) {add = true}
            %dma_wait3A_95 = arith.constant 0 : i32
            %dma_wait3A_96 = tpu.memref_slice %arg9[%add3A_59, %dma_wait3A_95] : memref<16x128xi32, #tpu.memory_space<vmem>> -> memref<1x128xi32, #tpu.memory_space<vmem>>
            %dma_wait3A_97 = tpu.memref_squeeze %dma_wait3A_96 : memref<1x128xi32, #tpu.memory_space<vmem>> -> memref<128xi32, #tpu.memory_space<vmem>>
            %dma_wait3A_98 = arith.constant 0 : i32
            %dma_wait3A_99 = arith.constant 0 : i32
            %dma_wait3A_100 = tpu.memref_slice %arg12[%dma_wait3A_98, %dma_wait3A_99] : memref<10240x128xf32, #tpu.memory_space<vmem_shared>> -> memref<10240x128xf32, #tpu.memory_space<vmem_shared>>
            tpu.wait_indirect_dma semaphore(%run_scoped3A : memref<!tpu.dma_semaphore, #tpu.memory_space<semaphore_mem>>) src(%arg10 : memref<128x128xf32, #tpu.memory_space<vmem>>) dst(%dma_wait3A_100 : memref<10240x128xf32, #tpu.memory_space<vmem_shared>>)
            tpu.yield
          }) : () -> ()
          %add3A_66 = arith.constant 2 : i32
          %add3A_67 = arith.addi %add3A_59, %add3A_66 : i32
          %lt3A = arith.constant 16 : i32
          %lt3A_68 = arith.cmpi slt, %add3A_67, %lt3A : i32
          %convert_element_type3A_69 = arith.extui %lt3A_68 : i1 to i32
          %cond3A_70 = arith.constant 0 : i32
          %cond3A_71 = arith.cmpi ne, %convert_element_type3A_69, %cond3A_70 : i32
          scf.if %cond3A_71 {
            %add3A_89 = arith.constant 2 : i32
            %add3A_90 = arith.addi %add3A_59, %add3A_89 : i32
            %dma_start3A_91 = arith.constant 0 : i32
            %dma_start3A_92 = tpu.memref_slice %arg8[%add3A_90, %dma_start3A_91] : memref<16x128xi32, #tpu.memory_space<vmem>> -> memref<1x128xi32, #tpu.memory_space<vmem>>
            %dma_start3A_93 = tpu.memref_squeeze %dma_start3A_92 : memref<1x128xi32, #tpu.memory_space<vmem>> -> memref<128xi32, #tpu.memory_space<vmem>>
            %dma_start3A_94 = arith.constant 0 : i32
            %dma_start3A_95 = arith.constant 0 : i32
            %dma_start3A_96 = tpu.memref_slice %arg2[%dma_start3A_94, %dma_start3A_95] : memref<10240x128xf32, #tpu.memory_space<hbm>> -> memref<10240x128xf32, #tpu.memory_space<hbm>>
            tpu.enqueue_indirect_dma source(%dma_start3A_96 : memref<10240x128xf32, #tpu.memory_space<hbm>>) target(%arg10 : memref<128x128xf32, #tpu.memory_space<vmem>>) offsets(%dma_start3A_93 : memref<128xi32, #tpu.memory_space<vmem>>) semaphore(%arg13 : memref<!tpu.dma_semaphore, #tpu.memory_space<semaphore_mem>>)
          } else {
          }
          %add3A_72 = arith.constant 1 : i32
          %add3A_73 = arith.addi %add3A_59, %add3A_72 : i32
          %dma_wait3A_74 = arith.constant 0 : i32
          %dma_wait3A_75 = tpu.memref_slice %arg8[%add3A_73, %dma_wait3A_74] : memref<16x128xi32, #tpu.memory_space<vmem>> -> memref<1x128xi32, #tpu.memory_space<vmem>>
          %dma_wait3A_76 = tpu.memref_squeeze %dma_wait3A_75 : memref<1x128xi32, #tpu.memory_space<vmem>> -> memref<128xi32, #tpu.memory_space<vmem>>
          %dma_wait3A_77 = arith.constant 0 : i32
          %dma_wait3A_78 = arith.constant 0 : i32
          %dma_wait3A_79 = tpu.memref_slice %arg2[%dma_wait3A_77, %dma_wait3A_78] : memref<10240x128xf32, #tpu.memory_space<hbm>> -> memref<10240x128xf32, #tpu.memory_space<hbm>>
          tpu.wait_indirect_dma semaphore(%arg14 : memref<!tpu.dma_semaphore, #tpu.memory_space<semaphore_mem>>) src(%dma_wait3A_79 : memref<10240x128xf32, #tpu.memory_space<hbm>>) dst(%arg11 : memref<128x128xf32, #tpu.memory_space<vmem>>)
          %add3A_80 = arith.constant 1 : i32
          %add3A_81 = arith.addi %add3A_59, %add3A_80 : i32
          "tpu.region"() ({
            %run_scoped3A = tpu.sem_alloc : memref<!tpu.dma_semaphore, #tpu.memory_space<semaphore_mem>>
            %dma_start3A_89 = arith.constant 0 : i32
            %dma_start3A_90 = tpu.memref_slice %arg9[%add3A_81, %dma_start3A_89] : memref<16x128xi32, #tpu.memory_space<vmem>> -> memref<1x128xi32, #tpu.memory_space<vmem>>
            %dma_start3A_91 = tpu.memref_squeeze %dma_start3A_90 : memref<1x128xi32, #tpu.memory_space<vmem>> -> memref<128xi32, #tpu.memory_space<vmem>>
            %dma_start3A_92 = arith.constant 0 : i32
            %dma_start3A_93 = arith.constant 0 : i32
            %dma_start3A_94 = tpu.memref_slice %arg12[%dma_start3A_92, %dma_start3A_93] : memref<10240x128xf32, #tpu.memory_space<vmem_shared>> -> memref<10240x128xf32, #tpu.memory_space<vmem_shared>>
            tpu.enqueue_indirect_dma source(%arg11 : memref<128x128xf32, #tpu.memory_space<vmem>>) target(%dma_start3A_94 : memref<10240x128xf32, #tpu.memory_space<vmem_shared>>) offsets(%dma_start3A_91 : memref<128xi32, #tpu.memory_space<vmem>>) semaphore(%run_scoped3A : memref<!tpu.dma_semaphore, #tpu.memory_space<semaphore_mem>>) {add = true}
            %dma_wait3A_95 = arith.constant 0 : i32
            %dma_wait3A_96 = tpu.memref_slice %arg9[%add3A_81, %dma_wait3A_95] : memref<16x128xi32, #tpu.memory_space<vmem>> -> memref<1x128xi32, #tpu.memory_space<vmem>>
            %dma_wait3A_97 = tpu.memref_squeeze %dma_wait3A_96 : memref<1x128xi32, #tpu.memory_space<vmem>> -> memref<128xi32, #tpu.memory_space<vmem>>
            %dma_wait3A_98 = arith.constant 0 : i32
            %dma_wait3A_99 = arith.constant 0 : i32
            %dma_wait3A_100 = tpu.memref_slice %arg12[%dma_wait3A_98, %dma_wait3A_99] : memref<10240x128xf32, #tpu.memory_space<vmem_shared>> -> memref<10240x128xf32, #tpu.memory_space<vmem_shared>>
            tpu.wait_indirect_dma semaphore(%run_scoped3A : memref<!tpu.dma_semaphore, #tpu.memory_space<semaphore_mem>>) src(%arg11 : memref<128x128xf32, #tpu.memory_space<vmem>>) dst(%dma_wait3A_100 : memref<10240x128xf32, #tpu.memory_space<vmem_shared>>)
            tpu.yield
          }) : () -> ()
          %add3A_82 = arith.constant 3 : i32
          %add3A_83 = arith.addi %add3A_59, %add3A_82 : i32
          %lt3A_84 = arith.constant 16 : i32
          %lt3A_85 = arith.cmpi slt, %add3A_83, %lt3A_84 : i32
          %convert_element_type3A_86 = arith.extui %lt3A_85 : i1 to i32
          %cond3A_87 = arith.constant 0 : i32
          %cond3A_88 = arith.cmpi ne, %convert_element_type3A_86, %cond3A_87 : i32
          scf.if %cond3A_88 {
            %add3A_89 = arith.constant 3 : i32
            %add3A_90 = arith.addi %add3A_59, %add3A_89 : i32
            %dma_start3A_91 = arith.constant 0 : i32
            %dma_start3A_92 = tpu.memref_slice %arg8[%add3A_90, %dma_start3A_91] : memref<16x128xi32, #tpu.memory_space<vmem>> -> memref<1x128xi32, #tpu.memory_space<vmem>>
            %dma_start3A_93 = tpu.memref_squeeze %dma_start3A_92 : memref<1x128xi32, #tpu.memory_space<vmem>> -> memref<128xi32, #tpu.memory_space<vmem>>
            %dma_start3A_94 = arith.constant 0 : i32
            %dma_start3A_95 = arith.constant 0 : i32
            %dma_start3A_96 = tpu.memref_slice %arg2[%dma_start3A_94, %dma_start3A_95] : memref<10240x128xf32, #tpu.memory_space<hbm>> -> memref<10240x128xf32, #tpu.memory_space<hbm>>
            tpu.enqueue_indirect_dma source(%dma_start3A_96 : memref<10240x128xf32, #tpu.memory_space<hbm>>) target(%arg11 : memref<128x128xf32, #tpu.memory_space<vmem>>) offsets(%dma_start3A_93 : memref<128xi32, #tpu.memory_space<vmem>>) semaphore(%arg14 : memref<!tpu.dma_semaphore, #tpu.memory_space<semaphore_mem>>)
          } else {
          }
        }
        %scan3A_54 = arith.constant 8 : i32
      }
      %scan3A_21 = arith.constant 5 : i32
      %barrier3A_22 = arith.constant 0 : index
      tpu.barrier barrier_id(%barrier3A_22)
      "tpu.region"() ({
        %run_scoped3A = tpu.sem_alloc : memref<!tpu.dma_semaphore, #tpu.memory_space<semaphore_mem>>
        %dma_start3A_23 = arith.constant 0 : i32
        %dma_start3A_24 = tpu.memref_slice %arg6[%mul3A_0, %dma_start3A_23] : memref<10240x128xf32, #tpu.memory_space<hbm>> -> memref<640x128xf32, #tpu.memory_space<hbm>>
        %dma_start3A_25 = arith.constant 0 : i32
        %dma_start3A_26 = tpu.memref_slice %arg12[%mul3A_0, %dma_start3A_25] : memref<10240x128xf32, #tpu.memory_space<vmem_shared>> -> memref<640x128xf32, #tpu.memory_space<vmem_shared>>
        tpu.enqueue_dma source(%dma_start3A_26 : memref<640x128xf32, #tpu.memory_space<vmem_shared>>) target(%dma_start3A_24 : memref<640x128xf32, #tpu.memory_space<hbm>>) target_semaphore(%run_scoped3A : memref<!tpu.dma_semaphore, #tpu.memory_space<semaphore_mem>>)
        %dma_wait3A_27 = arith.constant 0 : i32
        %dma_wait3A_28 = tpu.memref_slice %arg6[%mul3A_0, %dma_wait3A_27] : memref<10240x128xf32, #tpu.memory_space<hbm>> -> memref<640x128xf32, #tpu.memory_space<hbm>>
        %dma_wait3A_29 = arith.constant 0 : i32
        %dma_wait3A_30 = tpu.memref_slice %arg12[%mul3A_0, %dma_wait3A_29] : memref<10240x128xf32, #tpu.memory_space<vmem_shared>> -> memref<640x128xf32, #tpu.memory_space<vmem_shared>>
        tpu.wait_dma2 semaphore(%run_scoped3A : memref<!tpu.dma_semaphore, #tpu.memory_space<semaphore_mem>>) src(%dma_wait3A_30 : memref<640x128xf32, #tpu.memory_space<vmem_shared>>) dst(%dma_wait3A_28 : memref<640x128xf32, #tpu.memory_space<hbm>>)
        tpu.yield
      }) : () -> ()
    } else {
    }
    %eq3A_3 = arith.constant 1 : i32
    %eq3A_4 = arith.cmpi eq, %arg0, %eq3A_3 : i32
    %convert_element_type3A_5 = arith.extui %eq3A_4 : i1 to i32
    %cond3A_6 = arith.constant 0 : i32
    %cond3A_7 = arith.cmpi ne, %convert_element_type3A_5, %cond3A_6 : i32
    scf.if %cond3A_7 {
      %dma_start3A = arith.constant 0 : i32
      %dma_start3A_8 = tpu.memref_slice %arg12[%mul3A_0, %dma_start3A] : memref<10240x128xf32, #tpu.memory_space<vmem_shared>> -> memref<640x128xf32, #tpu.memory_space<vmem_shared>>
      %dma_start3A_9 = arith.constant 0 : i32
      %dma_start3A_10 = tpu.memref_slice %arg3[%mul3A_0, %dma_start3A_9] : memref<10240x128xf32, #tpu.memory_space<hbm>> -> memref<640x128xf32, #tpu.memory_space<hbm>>
      tpu.enqueue_dma source(%dma_start3A_10 : memref<640x128xf32, #tpu.memory_space<hbm>>) target(%dma_start3A_8 : memref<640x128xf32, #tpu.memory_space<vmem_shared>>) target_semaphore(%arg13 : memref<!tpu.dma_semaphore, #tpu.memory_space<semaphore_mem>>)
      %mul3A_11 = arith.constant 80 : i32
      %mul3A_12 = arith.muli %arg1, %mul3A_11 : i32
      "tpu.region"() ({
        %run_scoped3A = tpu.sem_alloc : memref<!tpu.dma_semaphore, #tpu.memory_space<semaphore_mem>>
        %dma_start3A_23 = arith.constant 0 : i32
        %dma_start3A_24 = tpu.memref_slice %arg4[%mul3A_12, %dma_start3A_23] : memref<1280x128xi32, #tpu.memory_space<hbm>> -> memref<16x128xi32, #tpu.memory_space<hbm>>
        %dma_start3A_25 = arith.constant 0 : i32
        %dma_start3A_26 = tpu.memref_slice %arg4[%mul3A_12, %dma_start3A_25] : memref<1280x128xi32, #tpu.memory_space<hbm>> -> memref<16x128xi32, #tpu.memory_space<hbm>>
        tpu.enqueue_dma source(%dma_start3A_26 : memref<16x128xi32, #tpu.memory_space<hbm>>) target(%arg8 : memref<16x128xi32, #tpu.memory_space<vmem>>) target_semaphore(%run_scoped3A : memref<!tpu.dma_semaphore, #tpu.memory_space<semaphore_mem>>)
        %dma_wait3A_27 = arith.constant 0 : i32
        %dma_wait3A_28 = tpu.memref_slice %arg4[%mul3A_12, %dma_wait3A_27] : memref<1280x128xi32, #tpu.memory_space<hbm>> -> memref<16x128xi32, #tpu.memory_space<hbm>>
        %dma_wait3A_29 = arith.constant 0 : i32
        %dma_wait3A_30 = tpu.memref_slice %arg4[%mul3A_12, %dma_wait3A_29] : memref<1280x128xi32, #tpu.memory_space<hbm>> -> memref<16x128xi32, #tpu.memory_space<hbm>>
        tpu.wait_dma2 semaphore(%run_scoped3A : memref<!tpu.dma_semaphore, #tpu.memory_space<semaphore_mem>>) src(%dma_wait3A_30 : memref<16x128xi32, #tpu.memory_space<hbm>>) dst(%arg8 : memref<16x128xi32, #tpu.memory_space<vmem>>)
        tpu.yield
      }) : () -> ()
      %mul3A_13 = arith.constant 80 : i32
      %mul3A_14 = arith.muli %arg1, %mul3A_13 : i32
      "tpu.region"() ({
        %run_scoped3A = tpu.sem_alloc : memref<!tpu.dma_semaphore, #tpu.memory_space<semaphore_mem>>
        %dma_start3A_23 = arith.constant 0 : i32
        %dma_start3A_24 = tpu.memref_slice %arg5[%mul3A_14, %dma_start3A_23] : memref<1280x128xi32, #tpu.memory_space<hbm>> -> memref<16x128xi32, #tpu.memory_space<hbm>>
        %dma_start3A_25 = arith.constant 0 : i32
        %dma_start3A_26 = tpu.memref_slice %arg5[%mul3A_14, %dma_start3A_25] : memref<1280x128xi32, #tpu.memory_space<hbm>> -> memref<16x128xi32, #tpu.memory_space<hbm>>
        tpu.enqueue_dma source(%dma_start3A_26 : memref<16x128xi32, #tpu.memory_space<hbm>>) target(%arg9 : memref<16x128xi32, #tpu.memory_space<vmem>>) target_semaphore(%run_scoped3A : memref<!tpu.dma_semaphore, #tpu.memory_space<semaphore_mem>>)
        %dma_wait3A_27 = arith.constant 0 : i32
        %dma_wait3A_28 = tpu.memref_slice %arg5[%mul3A_14, %dma_wait3A_27] : memref<1280x128xi32, #tpu.memory_space<hbm>> -> memref<16x128xi32, #tpu.memory_space<hbm>>
        %dma_wait3A_29 = arith.constant 0 : i32
        %dma_wait3A_30 = tpu.memref_slice %arg5[%mul3A_14, %dma_wait3A_29] : memref<1280x128xi32, #tpu.memory_space<hbm>> -> memref<16x128xi32, #tpu.memory_space<hbm>>
        tpu.wait_dma2 semaphore(%run_scoped3A : memref<!tpu.dma_semaphore, #tpu.memory_space<semaphore_mem>>) src(%dma_wait3A_30 : memref<16x128xi32, #tpu.memory_space<hbm>>) dst(%arg9 : memref<16x128xi32, #tpu.memory_space<vmem>>)
        tpu.yield
      }) : () -> ()
      %dma_wait3A = arith.constant 0 : i32
      %dma_wait3A_15 = tpu.memref_slice %arg12[%mul3A_0, %dma_wait3A] : memref<10240x128xf32, #tpu.memory_space<vmem_shared>> -> memref<640x128xf32, #tpu.memory_space<vmem_shared>>
      %dma_wait3A_16 = arith.constant 0 : i32
      %dma_wait3A_17 = tpu.memref_slice %arg3[%mul3A_0, %dma_wait3A_16] : memref<10240x128xf32, #tpu.memory_space<hbm>> -> memref<640x128xf32, #tpu.memory_space<hbm>>
      tpu.wait_dma2 semaphore(%arg13 : memref<!tpu.dma_semaphore, #tpu.memory_space<semaphore_mem>>) src(%dma_wait3A_17 : memref<640x128xf32, #tpu.memory_space<hbm>>) dst(%dma_wait3A_15 : memref<640x128xf32, #tpu.memory_space<vmem_shared>>)
      %barrier3A = arith.constant 0 : index
      tpu.barrier barrier_id(%barrier3A)
      %scan3A = arith.constant 0 : i32
      %scan3A_18 = arith.constant 5 : i32
      %scan3A_19 = arith.addi %scan3A, %scan3A_18 : i32
      %scan3A_20 = arith.constant 1 : i32
      scf.for %scan3A_23 = %scan3A to %scan3A_19 step %scan3A_20  : i32 {
        %mul3A_24 = arith.constant 1 : i32
        %mul3A_25 = arith.muli %scan3A_23, %mul3A_24 : i32
        %add3A = arith.constant 0 : i32
        %add3A_26 = arith.addi %add3A, %mul3A_25 : i32
        %mul3A_27 = arith.constant 80 : i32
        %mul3A_28 = arith.muli %arg1, %mul3A_27 : i32
        %mul3A_29 = arith.constant 16 : i32
        %mul3A_30 = arith.muli %add3A_26, %mul3A_29 : i32
        %add3A_31 = arith.addi %mul3A_28, %mul3A_30 : i32
        %gt3A = arith.constant 0 : i32
        %gt3A_32 = arith.cmpi sgt, %add3A_26, %gt3A : i32
        %convert_element_type3A_33 = arith.extui %gt3A_32 : i1 to i32
        %cond3A_34 = arith.constant 0 : i32
        %cond3A_35 = arith.cmpi ne, %convert_element_type3A_33, %cond3A_34 : i32
        scf.if %cond3A_35 {
          "tpu.region"() ({
            %run_scoped3A = tpu.sem_alloc : memref<!tpu.dma_semaphore, #tpu.memory_space<semaphore_mem>>
            %dma_start3A_55 = arith.constant 0 : i32
            %dma_start3A_56 = tpu.memref_slice %arg4[%add3A_31, %dma_start3A_55] : memref<1280x128xi32, #tpu.memory_space<hbm>> -> memref<16x128xi32, #tpu.memory_space<hbm>>
            %dma_start3A_57 = arith.constant 0 : i32
            %dma_start3A_58 = tpu.memref_slice %arg4[%add3A_31, %dma_start3A_57] : memref<1280x128xi32, #tpu.memory_space<hbm>> -> memref<16x128xi32, #tpu.memory_space<hbm>>
            tpu.enqueue_dma source(%dma_start3A_58 : memref<16x128xi32, #tpu.memory_space<hbm>>) target(%arg8 : memref<16x128xi32, #tpu.memory_space<vmem>>) target_semaphore(%run_scoped3A : memref<!tpu.dma_semaphore, #tpu.memory_space<semaphore_mem>>)
            %dma_wait3A_59 = arith.constant 0 : i32
            %dma_wait3A_60 = tpu.memref_slice %arg4[%add3A_31, %dma_wait3A_59] : memref<1280x128xi32, #tpu.memory_space<hbm>> -> memref<16x128xi32, #tpu.memory_space<hbm>>
            %dma_wait3A_61 = arith.constant 0 : i32
            %dma_wait3A_62 = tpu.memref_slice %arg4[%add3A_31, %dma_wait3A_61] : memref<1280x128xi32, #tpu.memory_space<hbm>> -> memref<16x128xi32, #tpu.memory_space<hbm>>
            tpu.wait_dma2 semaphore(%run_scoped3A : memref<!tpu.dma_semaphore, #tpu.memory_space<semaphore_mem>>) src(%dma_wait3A_62 : memref<16x128xi32, #tpu.memory_space<hbm>>) dst(%arg8 : memref<16x128xi32, #tpu.memory_space<vmem>>)
            tpu.yield
          }) : () -> ()
          "tpu.region"() ({
            %run_scoped3A = tpu.sem_alloc : memref<!tpu.dma_semaphore, #tpu.memory_space<semaphore_mem>>
            %dma_start3A_55 = arith.constant 0 : i32
            %dma_start3A_56 = tpu.memref_slice %arg5[%add3A_31, %dma_start3A_55] : memref<1280x128xi32, #tpu.memory_space<hbm>> -> memref<16x128xi32, #tpu.memory_space<hbm>>
            %dma_start3A_57 = arith.constant 0 : i32
            %dma_start3A_58 = tpu.memref_slice %arg5[%add3A_31, %dma_start3A_57] : memref<1280x128xi32, #tpu.memory_space<hbm>> -> memref<16x128xi32, #tpu.memory_space<hbm>>
            tpu.enqueue_dma source(%dma_start3A_58 : memref<16x128xi32, #tpu.memory_space<hbm>>) target(%arg9 : memref<16x128xi32, #tpu.memory_space<vmem>>) target_semaphore(%run_scoped3A : memref<!tpu.dma_semaphore, #tpu.memory_space<semaphore_mem>>)
            %dma_wait3A_59 = arith.constant 0 : i32
            %dma_wait3A_60 = tpu.memref_slice %arg5[%add3A_31, %dma_wait3A_59] : memref<1280x128xi32, #tpu.memory_space<hbm>> -> memref<16x128xi32, #tpu.memory_space<hbm>>
            %dma_wait3A_61 = arith.constant 0 : i32
            %dma_wait3A_62 = tpu.memref_slice %arg5[%add3A_31, %dma_wait3A_61] : memref<1280x128xi32, #tpu.memory_space<hbm>> -> memref<16x128xi32, #tpu.memory_space<hbm>>
            tpu.wait_dma2 semaphore(%run_scoped3A : memref<!tpu.dma_semaphore, #tpu.memory_space<semaphore_mem>>) src(%dma_wait3A_62 : memref<16x128xi32, #tpu.memory_space<hbm>>) dst(%arg9 : memref<16x128xi32, #tpu.memory_space<vmem>>)
            tpu.yield
          }) : () -> ()
        } else {
        }
        %dma_start3A_36 = arith.constant 0 : i32
        %dma_start3A_37 = arith.constant 0 : i32
        %dma_start3A_38 = tpu.memref_slice %arg8[%dma_start3A_36, %dma_start3A_37] : memref<16x128xi32, #tpu.memory_space<vmem>> -> memref<1x128xi32, #tpu.memory_space<vmem>>
        %dma_start3A_39 = tpu.memref_squeeze %dma_start3A_38 : memref<1x128xi32, #tpu.memory_space<vmem>> -> memref<128xi32, #tpu.memory_space<vmem>>
        %dma_start3A_40 = arith.constant 0 : i32
        %dma_start3A_41 = arith.constant 0 : i32
        %dma_start3A_42 = tpu.memref_slice %arg3[%dma_start3A_40, %dma_start3A_41] : memref<10240x128xf32, #tpu.memory_space<hbm>> -> memref<10240x128xf32, #tpu.memory_space<hbm>>
        tpu.enqueue_indirect_dma source(%dma_start3A_42 : memref<10240x128xf32, #tpu.memory_space<hbm>>) target(%arg10 : memref<128x128xf32, #tpu.memory_space<vmem>>) offsets(%dma_start3A_39 : memref<128xi32, #tpu.memory_space<vmem>>) semaphore(%arg13 : memref<!tpu.dma_semaphore, #tpu.memory_space<semaphore_mem>>)
        %dma_start3A_43 = arith.constant 1 : i32
        %dma_start3A_44 = arith.constant 0 : i32
        %dma_start3A_45 = tpu.memref_slice %arg8[%dma_start3A_43, %dma_start3A_44] : memref<16x128xi32, #tpu.memory_space<vmem>> -> memref<1x128xi32, #tpu.memory_space<vmem>>
        %dma_start3A_46 = tpu.memref_squeeze %dma_start3A_45 : memref<1x128xi32, #tpu.memory_space<vmem>> -> memref<128xi32, #tpu.memory_space<vmem>>
        %dma_start3A_47 = arith.constant 0 : i32
        %dma_start3A_48 = arith.constant 0 : i32
        %dma_start3A_49 = tpu.memref_slice %arg3[%dma_start3A_47, %dma_start3A_48] : memref<10240x128xf32, #tpu.memory_space<hbm>> -> memref<10240x128xf32, #tpu.memory_space<hbm>>
        tpu.enqueue_indirect_dma source(%dma_start3A_49 : memref<10240x128xf32, #tpu.memory_space<hbm>>) target(%arg11 : memref<128x128xf32, #tpu.memory_space<vmem>>) offsets(%dma_start3A_46 : memref<128xi32, #tpu.memory_space<vmem>>) semaphore(%arg14 : memref<!tpu.dma_semaphore, #tpu.memory_space<semaphore_mem>>)
        %scan3A_50 = arith.constant 0 : i32
        %scan3A_51 = arith.constant 8 : i32
        %scan3A_52 = arith.addi %scan3A_50, %scan3A_51 : i32
        %scan3A_53 = arith.constant 1 : i32
        scf.for %scan3A_55 = %scan3A_50 to %scan3A_52 step %scan3A_53  : i32 {
          %mul3A_56 = arith.constant 2 : i32
          %mul3A_57 = arith.muli %scan3A_55, %mul3A_56 : i32
          %add3A_58 = arith.constant 0 : i32
          %add3A_59 = arith.addi %add3A_58, %mul3A_57 : i32
          %dma_wait3A_60 = arith.constant 0 : i32
          %dma_wait3A_61 = tpu.memref_slice %arg8[%add3A_59, %dma_wait3A_60] : memref<16x128xi32, #tpu.memory_space<vmem>> -> memref<1x128xi32, #tpu.memory_space<vmem>>
          %dma_wait3A_62 = tpu.memref_squeeze %dma_wait3A_61 : memref<1x128xi32, #tpu.memory_space<vmem>> -> memref<128xi32, #tpu.memory_space<vmem>>
          %dma_wait3A_63 = arith.constant 0 : i32
          %dma_wait3A_64 = arith.constant 0 : i32
          %dma_wait3A_65 = tpu.memref_slice %arg3[%dma_wait3A_63, %dma_wait3A_64] : memref<10240x128xf32, #tpu.memory_space<hbm>> -> memref<10240x128xf32, #tpu.memory_space<hbm>>
          tpu.wait_indirect_dma semaphore(%arg13 : memref<!tpu.dma_semaphore, #tpu.memory_space<semaphore_mem>>) src(%dma_wait3A_65 : memref<10240x128xf32, #tpu.memory_space<hbm>>) dst(%arg10 : memref<128x128xf32, #tpu.memory_space<vmem>>)
          "tpu.region"() ({
            %run_scoped3A = tpu.sem_alloc : memref<!tpu.dma_semaphore, #tpu.memory_space<semaphore_mem>>
            %dma_start3A_89 = arith.constant 0 : i32
            %dma_start3A_90 = tpu.memref_slice %arg9[%add3A_59, %dma_start3A_89] : memref<16x128xi32, #tpu.memory_space<vmem>> -> memref<1x128xi32, #tpu.memory_space<vmem>>
            %dma_start3A_91 = tpu.memref_squeeze %dma_start3A_90 : memref<1x128xi32, #tpu.memory_space<vmem>> -> memref<128xi32, #tpu.memory_space<vmem>>
            %dma_start3A_92 = arith.constant 0 : i32
            %dma_start3A_93 = arith.constant 0 : i32
            %dma_start3A_94 = tpu.memref_slice %arg12[%dma_start3A_92, %dma_start3A_93] : memref<10240x128xf32, #tpu.memory_space<vmem_shared>> -> memref<10240x128xf32, #tpu.memory_space<vmem_shared>>
            tpu.enqueue_indirect_dma source(%arg10 : memref<128x128xf32, #tpu.memory_space<vmem>>) target(%dma_start3A_94 : memref<10240x128xf32, #tpu.memory_space<vmem_shared>>) offsets(%dma_start3A_91 : memref<128xi32, #tpu.memory_space<vmem>>) semaphore(%run_scoped3A : memref<!tpu.dma_semaphore, #tpu.memory_space<semaphore_mem>>) {add = true}
            %dma_wait3A_95 = arith.constant 0 : i32
            %dma_wait3A_96 = tpu.memref_slice %arg9[%add3A_59, %dma_wait3A_95] : memref<16x128xi32, #tpu.memory_space<vmem>> -> memref<1x128xi32, #tpu.memory_space<vmem>>
            %dma_wait3A_97 = tpu.memref_squeeze %dma_wait3A_96 : memref<1x128xi32, #tpu.memory_space<vmem>> -> memref<128xi32, #tpu.memory_space<vmem>>
            %dma_wait3A_98 = arith.constant 0 : i32
            %dma_wait3A_99 = arith.constant 0 : i32
            %dma_wait3A_100 = tpu.memref_slice %arg12[%dma_wait3A_98, %dma_wait3A_99] : memref<10240x128xf32, #tpu.memory_space<vmem_shared>> -> memref<10240x128xf32, #tpu.memory_space<vmem_shared>>
            tpu.wait_indirect_dma semaphore(%run_scoped3A : memref<!tpu.dma_semaphore, #tpu.memory_space<semaphore_mem>>) src(%arg10 : memref<128x128xf32, #tpu.memory_space<vmem>>) dst(%dma_wait3A_100 : memref<10240x128xf32, #tpu.memory_space<vmem_shared>>)
            tpu.yield
          }) : () -> ()
          %add3A_66 = arith.constant 2 : i32
          %add3A_67 = arith.addi %add3A_59, %add3A_66 : i32
          %lt3A = arith.constant 16 : i32
          %lt3A_68 = arith.cmpi slt, %add3A_67, %lt3A : i32
          %convert_element_type3A_69 = arith.extui %lt3A_68 : i1 to i32
          %cond3A_70 = arith.constant 0 : i32
          %cond3A_71 = arith.cmpi ne, %convert_element_type3A_69, %cond3A_70 : i32
          scf.if %cond3A_71 {
            %add3A_89 = arith.constant 2 : i32
            %add3A_90 = arith.addi %add3A_59, %add3A_89 : i32
            %dma_start3A_91 = arith.constant 0 : i32
            %dma_start3A_92 = tpu.memref_slice %arg8[%add3A_90, %dma_start3A_91] : memref<16x128xi32, #tpu.memory_space<vmem>> -> memref<1x128xi32, #tpu.memory_space<vmem>>
            %dma_start3A_93 = tpu.memref_squeeze %dma_start3A_92 : memref<1x128xi32, #tpu.memory_space<vmem>> -> memref<128xi32, #tpu.memory_space<vmem>>
            %dma_start3A_94 = arith.constant 0 : i32
            %dma_start3A_95 = arith.constant 0 : i32
            %dma_start3A_96 = tpu.memref_slice %arg3[%dma_start3A_94, %dma_start3A_95] : memref<10240x128xf32, #tpu.memory_space<hbm>> -> memref<10240x128xf32, #tpu.memory_space<hbm>>
            tpu.enqueue_indirect_dma source(%dma_start3A_96 : memref<10240x128xf32, #tpu.memory_space<hbm>>) target(%arg10 : memref<128x128xf32, #tpu.memory_space<vmem>>) offsets(%dma_start3A_93 : memref<128xi32, #tpu.memory_space<vmem>>) semaphore(%arg13 : memref<!tpu.dma_semaphore, #tpu.memory_space<semaphore_mem>>)
          } else {
          }
          %add3A_72 = arith.constant 1 : i32
          %add3A_73 = arith.addi %add3A_59, %add3A_72 : i32
          %dma_wait3A_74 = arith.constant 0 : i32
          %dma_wait3A_75 = tpu.memref_slice %arg8[%add3A_73, %dma_wait3A_74] : memref<16x128xi32, #tpu.memory_space<vmem>> -> memref<1x128xi32, #tpu.memory_space<vmem>>
          %dma_wait3A_76 = tpu.memref_squeeze %dma_wait3A_75 : memref<1x128xi32, #tpu.memory_space<vmem>> -> memref<128xi32, #tpu.memory_space<vmem>>
          %dma_wait3A_77 = arith.constant 0 : i32
          %dma_wait3A_78 = arith.constant 0 : i32
          %dma_wait3A_79 = tpu.memref_slice %arg3[%dma_wait3A_77, %dma_wait3A_78] : memref<10240x128xf32, #tpu.memory_space<hbm>> -> memref<10240x128xf32, #tpu.memory_space<hbm>>
          tpu.wait_indirect_dma semaphore(%arg14 : memref<!tpu.dma_semaphore, #tpu.memory_space<semaphore_mem>>) src(%dma_wait3A_79 : memref<10240x128xf32, #tpu.memory_space<hbm>>) dst(%arg11 : memref<128x128xf32, #tpu.memory_space<vmem>>)
          %add3A_80 = arith.constant 1 : i32
          %add3A_81 = arith.addi %add3A_59, %add3A_80 : i32
          "tpu.region"() ({
            %run_scoped3A = tpu.sem_alloc : memref<!tpu.dma_semaphore, #tpu.memory_space<semaphore_mem>>
            %dma_start3A_89 = arith.constant 0 : i32
            %dma_start3A_90 = tpu.memref_slice %arg9[%add3A_81, %dma_start3A_89] : memref<16x128xi32, #tpu.memory_space<vmem>> -> memref<1x128xi32, #tpu.memory_space<vmem>>
            %dma_start3A_91 = tpu.memref_squeeze %dma_start3A_90 : memref<1x128xi32, #tpu.memory_space<vmem>> -> memref<128xi32, #tpu.memory_space<vmem>>
            %dma_start3A_92 = arith.constant 0 : i32
            %dma_start3A_93 = arith.constant 0 : i32
            %dma_start3A_94 = tpu.memref_slice %arg12[%dma_start3A_92, %dma_start3A_93] : memref<10240x128xf32, #tpu.memory_space<vmem_shared>> -> memref<10240x128xf32, #tpu.memory_space<vmem_shared>>
            tpu.enqueue_indirect_dma source(%arg11 : memref<128x128xf32, #tpu.memory_space<vmem>>) target(%dma_start3A_94 : memref<10240x128xf32, #tpu.memory_space<vmem_shared>>) offsets(%dma_start3A_91 : memref<128xi32, #tpu.memory_space<vmem>>) semaphore(%run_scoped3A : memref<!tpu.dma_semaphore, #tpu.memory_space<semaphore_mem>>) {add = true}
            %dma_wait3A_95 = arith.constant 0 : i32
            %dma_wait3A_96 = tpu.memref_slice %arg9[%add3A_81, %dma_wait3A_95] : memref<16x128xi32, #tpu.memory_space<vmem>> -> memref<1x128xi32, #tpu.memory_space<vmem>>
            %dma_wait3A_97 = tpu.memref_squeeze %dma_wait3A_96 : memref<1x128xi32, #tpu.memory_space<vmem>> -> memref<128xi32, #tpu.memory_space<vmem>>
            %dma_wait3A_98 = arith.constant 0 : i32
            %dma_wait3A_99 = arith.constant 0 : i32
            %dma_wait3A_100 = tpu.memref_slice %arg12[%dma_wait3A_98, %dma_wait3A_99] : memref<10240x128xf32, #tpu.memory_space<vmem_shared>> -> memref<10240x128xf32, #tpu.memory_space<vmem_shared>>
            tpu.wait_indirect_dma semaphore(%run_scoped3A : memref<!tpu.dma_semaphore, #tpu.memory_space<semaphore_mem>>) src(%arg11 : memref<128x128xf32, #tpu.memory_space<vmem>>) dst(%dma_wait3A_100 : memref<10240x128xf32, #tpu.memory_space<vmem_shared>>)
            tpu.yield
          }) : () -> ()
          %add3A_82 = arith.constant 3 : i32
          %add3A_83 = arith.addi %add3A_59, %add3A_82 : i32
          %lt3A_84 = arith.constant 16 : i32
          %lt3A_85 = arith.cmpi slt, %add3A_83, %lt3A_84 : i32
          %convert_element_type3A_86 = arith.extui %lt3A_85 : i1 to i32
          %cond3A_87 = arith.constant 0 : i32
          %cond3A_88 = arith.cmpi ne, %convert_element_type3A_86, %cond3A_87 : i32
          scf.if %cond3A_88 {
            %add3A_89 = arith.constant 3 : i32
            %add3A_90 = arith.addi %add3A_59, %add3A_89 : i32
            %dma_start3A_91 = arith.constant 0 : i32
            %dma_start3A_92 = tpu.memref_slice %arg8[%add3A_90, %dma_start3A_91] : memref<16x128xi32, #tpu.memory_space<vmem>> -> memref<1x128xi32, #tpu.memory_space<vmem>>
            %dma_start3A_93 = tpu.memref_squeeze %dma_start3A_92 : memref<1x128xi32, #tpu.memory_space<vmem>> -> memref<128xi32, #tpu.memory_space<vmem>>
            %dma_start3A_94 = arith.constant 0 : i32
            %dma_start3A_95 = arith.constant 0 : i32
            %dma_start3A_96 = tpu.memref_slice %arg3[%dma_start3A_94, %dma_start3A_95] : memref<10240x128xf32, #tpu.memory_space<hbm>> -> memref<10240x128xf32, #tpu.memory_space<hbm>>
            tpu.enqueue_indirect_dma source(%dma_start3A_96 : memref<10240x128xf32, #tpu.memory_space<hbm>>) target(%arg11 : memref<128x128xf32, #tpu.memory_space<vmem>>) offsets(%dma_start3A_93 : memref<128xi32, #tpu.memory_space<vmem>>) semaphore(%arg14 : memref<!tpu.dma_semaphore, #tpu.memory_space<semaphore_mem>>)
          } else {
          }
        }
        %scan3A_54 = arith.constant 8 : i32
      }
      %scan3A_21 = arith.constant 5 : i32
      %barrier3A_22 = arith.constant 0 : index
      tpu.barrier barrier_id(%barrier3A_22)
      "tpu.region"() ({
        %run_scoped3A = tpu.sem_alloc : memref<!tpu.dma_semaphore, #tpu.memory_space<semaphore_mem>>
        %dma_start3A_23 = arith.constant 0 : i32
        %dma_start3A_24 = tpu.memref_slice %arg7[%mul3A_0, %dma_start3A_23] : memref<10240x128xf32, #tpu.memory_space<hbm>> -> memref<640x128xf32, #tpu.memory_space<hbm>>
        %dma_start3A_25 = arith.constant 0 : i32
        %dma_start3A_26 = tpu.memref_slice %arg12[%mul3A_0, %dma_start3A_25] : memref<10240x128xf32, #tpu.memory_space<vmem_shared>> -> memref<640x128xf32, #tpu.memory_space<vmem_shared>>
        tpu.enqueue_dma source(%dma_start3A_26 : memref<640x128xf32, #tpu.memory_space<vmem_shared>>) target(%dma_start3A_24 : memref<640x128xf32, #tpu.memory_space<hbm>>) target_semaphore(%run_scoped3A : memref<!tpu.dma_semaphore, #tpu.memory_space<semaphore_mem>>)
        %dma_wait3A_27 = arith.constant 0 : i32
        %dma_wait3A_28 = tpu.memref_slice %arg7[%mul3A_0, %dma_wait3A_27] : memref<10240x128xf32, #tpu.memory_space<hbm>> -> memref<640x128xf32, #tpu.memory_space<hbm>>
        %dma_wait3A_29 = arith.constant 0 : i32
        %dma_wait3A_30 = tpu.memref_slice %arg12[%mul3A_0, %dma_wait3A_29] : memref<10240x128xf32, #tpu.memory_space<vmem_shared>> -> memref<640x128xf32, #tpu.memory_space<vmem_shared>>
        tpu.wait_dma2 semaphore(%run_scoped3A : memref<!tpu.dma_semaphore, #tpu.memory_space<semaphore_mem>>) src(%dma_wait3A_30 : memref<640x128xf32, #tpu.memory_space<vmem_shared>>) dst(%dma_wait3A_28 : memref<640x128xf32, #tpu.memory_space<hbm>>)
        tpu.yield
      }) : () -> ()
    } else {
    }
    return
  }
}

module attributes {stable_mosaic.version = 14 : i64} {
  func.func @_mm_body(%arg0: i32, %arg1: memref<1024x256xf32, #tpu.memory_space<vmem>>, %arg2: memref<1024x1xf32, #tpu.memory_space<vmem>>, %arg3: memref<256x256xf32, #tpu.memory_space<vmem>>, %arg4: memref<1024x128xf32, #tpu.memory_space<vmem>>, %arg5: memref<1024x128xf32, #tpu.memory_space<vmem>>) attributes {dimension_semantics = [#tpu.dimension_semantics<arbitrary>], iteration_bounds = array<i64: 10>, scalar_prefetch = 0 : i64, scratch_operands = 0 : i64, tpu.core_type = #tpu.core_type<tc>, window_params = [{transform_indices = @transform_0, window_bounds = array<i64: 1024, 256>}, {transform_indices = @transform_1, window_bounds = array<i64: 1024, 1>}, {pipeline_mode = #tpu.pipeline_mode<synchronous>, transform_indices = @transform_2, window_bounds = array<i64: 256, 256>}, {transform_indices = @transform_3, window_bounds = array<i64: 1024, 128>}, {transform_indices = @transform_4, window_bounds = array<i64: 1024, 128>}]} {
    %get3A = arith.constant 0 : index
    %get3A_0 = arith.constant 0 : index
    %get3A_1 = vector.load %arg2[%get3A, %get3A_0] : memref<1024x1xf32, #tpu.memory_space<vmem>>, vector<1024x1xf32>
    %add3A = arith.constant 1.000000e+00 : f32
    %add3A_2 = vector.broadcast %add3A : f32 to vector<1024x1xf32>
    %add3A_3 = arith.addf %get3A_1, %add3A_2 : vector<1024x1xf32>
    %rsqrt3A = math.rsqrt %add3A_3 : vector<1024x1xf32>
    %get3A_4 = arith.constant 0 : index
    %get3A_5 = arith.constant 0 : index
    %get3A_6 = vector.load %arg1[%get3A_4, %get3A_5] : memref<1024x256xf32, #tpu.memory_space<vmem>>, vector<1024x256xf32>
    %get3A_7 = arith.constant 0 : index
    %get3A_8 = arith.constant 0 : index
    %get3A_9 = vector.load %arg3[%get3A_7, %get3A_8] : memref<256x256xf32, #tpu.memory_space<vmem>>, vector<256x256xf32>
    %dot_general3A = arith.constant dense<0.000000e+00> : vector<1024x256xf32>
    %dot_general3A_10 = tpu.matmul %get3A_6, %get3A_9, %dot_general3A {dimension_numbers = #tpu.dot_dimension_numbers<[1], [0], [0], [1], [0, 0, 1, 1], [], []>, transpose_lhs_hint = false} : vector<1024x256xf32>, vector<256x256xf32>, vector<1024x256xf32> -> vector<1024x256xf32>
    %mul3A = vector.broadcast %rsqrt3A : vector<1024x1xf32> to vector<1024x256xf32>
    %mul3A_11 = arith.mulf %dot_general3A_10, %mul3A : vector<1024x256xf32>
    %slice3A = vector.extract_strided_slice %mul3A_11 {offsets = [0, 0], sizes = [1024, 128], strides = [1, 1]} : vector<1024x256xf32> to vector<1024x128xf32>
    %swap3A = arith.constant 0 : index
    %swap3A_12 = arith.constant 0 : index
    %swap3A_13 = vector.load %arg4[%swap3A, %swap3A_12] : memref<1024x128xf32, #tpu.memory_space<vmem>>, vector<1024x128xf32>
    tpu.vector_store %arg4[%swap3A, %swap3A_12], %slice3A {strides = array<i32>} : memref<1024x128xf32, #tpu.memory_space<vmem>>, vector<1024x128xf32>,
    %slice3A_14 = vector.extract_strided_slice %mul3A_11 {offsets = [0, 128], sizes = [1024, 128], strides = [1, 1]} : vector<1024x256xf32> to vector<1024x128xf32>
    %swap3A_15 = arith.constant 0 : index
    %swap3A_16 = arith.constant 0 : index
    %swap3A_17 = vector.load %arg5[%swap3A_15, %swap3A_16] : memref<1024x128xf32, #tpu.memory_space<vmem>>, vector<1024x128xf32>
    tpu.vector_store %arg5[%swap3A_15, %swap3A_16], %slice3A_14 {strides = array<i32>} : memref<1024x128xf32, #tpu.memory_space<vmem>>, vector<1024x128xf32>,
    return
  }
  func.func @transform_0(%arg0: i32) -> (i32, i32) {
    %c0_i32 = arith.constant 0 : i32
    %c0_i32_0 = arith.constant 0 : i32
    return %arg0, %c0_i32 : i32, i32
  }
  func.func @transform_1(%arg0: i32) -> (i32, i32) {
    %c0_i32 = arith.constant 0 : i32
    %c0_i32_0 = arith.constant 0 : i32
    return %arg0, %c0_i32 : i32, i32
  }
  func.func @transform_2(%arg0: i32) -> (i32, i32) {
    %c0_i32 = arith.constant 0 : i32
    %c0_i32_0 = arith.constant 0 : i32
    %c0_i32_1 = arith.constant 0 : i32
    return %c0_i32, %c0_i32_0 : i32, i32
  }
  func.func @transform_3(%arg0: i32) -> (i32, i32) {
    %c0_i32 = arith.constant 0 : i32
    %c0_i32_0 = arith.constant 0 : i32
    return %arg0, %c0_i32 : i32, i32
  }
  func.func @transform_4(%arg0: i32) -> (i32, i32) {
    %c0_i32 = arith.constant 0 : i32
    %c0_i32_0 = arith.constant 0 : i32
    return %arg0, %c0_i32 : i32, i32
  }
}

module attributes {stable_mosaic.version = 14 : i64} {
  func.func @_final_body(%arg0: i32, %arg1: memref<1000x128xf32, #tpu.memory_space<vmem>>, %arg2: memref<1000x128xf32, #tpu.memory_space<vmem>>, %arg3: memref<1000x256xf32, #tpu.memory_space<vmem>>, %arg4: memref<1000x1xf32, #tpu.memory_space<vmem>>, %arg5: memref<1x256xf32, #tpu.memory_space<vmem>>, %arg6: memref<1x256xf32, #tpu.memory_space<vmem>>, %arg7: memref<1x256xf32, #tpu.memory_space<vmem>>, %arg8: memref<1000x256xf32, #tpu.memory_space<vmem>>) attributes {dimension_semantics = [#tpu.dimension_semantics<arbitrary>], iteration_bounds = array<i64: 10>, scalar_prefetch = 0 : i64, scratch_operands = 0 : i64, tpu.core_type = #tpu.core_type<tc>, window_params = [{transform_indices = @transform_0, window_bounds = array<i64: 1000, 128>}, {transform_indices = @transform_1, window_bounds = array<i64: 1000, 128>}, {transform_indices = @transform_2, window_bounds = array<i64: 1000, 256>}, {transform_indices = @transform_3, window_bounds = array<i64: 1000, 1>}, {pipeline_mode = #tpu.pipeline_mode<synchronous>, transform_indices = @transform_4, window_bounds = array<i64: 1, 256>}, {pipeline_mode = #tpu.pipeline_mode<synchronous>, transform_indices = @transform_5, window_bounds = array<i64: 1, 256>}, {pipeline_mode = #tpu.pipeline_mode<synchronous>, transform_indices = @transform_6, window_bounds = array<i64: 1, 256>}, {transform_indices = @transform_7, window_bounds = array<i64: 1000, 256>}]} {
    %get3A = arith.constant 0 : index
    %get3A_0 = arith.constant 0 : index
    %get3A_1 = vector.load %arg4[%get3A, %get3A_0] : memref<1000x1xf32, #tpu.memory_space<vmem>>, vector<1000x1xf32>
    %add3A = arith.constant 1.000000e+00 : f32
    %add3A_2 = vector.broadcast %add3A : f32 to vector<1000x1xf32>
    %add3A_3 = arith.addf %get3A_1, %add3A_2 : vector<1000x1xf32>
    %rsqrt3A = math.rsqrt %add3A_3 : vector<1000x1xf32>
    %get3A_4 = arith.constant 0 : index
    %get3A_5 = arith.constant 0 : index
    %get3A_6 = vector.load %arg1[%get3A_4, %get3A_5] : memref<1000x128xf32, #tpu.memory_space<vmem>>, vector<1000x128xf32>
    %get3A_7 = arith.constant 0 : index
    %get3A_8 = arith.constant 0 : index
    %get3A_9 = vector.load %arg2[%get3A_7, %get3A_8] : memref<1000x128xf32, #tpu.memory_space<vmem>>, vector<1000x128xf32>
    %concatenate3A = tpu.concatenate %get3A_6, %get3A_9 in 1 : vector<1000x128xf32>, vector<1000x128xf32> -> vector<1000x256xf32>
    %mul3A = vector.broadcast %rsqrt3A : vector<1000x1xf32> to vector<1000x256xf32>
    %mul3A_10 = arith.mulf %concatenate3A, %mul3A : vector<1000x256xf32>
    %get3A_11 = arith.constant 0 : index
    %get3A_12 = arith.constant 0 : index
    %get3A_13 = vector.load %arg5[%get3A_11, %get3A_12] : memref<1x256xf32, #tpu.memory_space<vmem>>, vector<1x256xf32>
    %add3A_14 = vector.broadcast %get3A_13 : vector<1x256xf32> to vector<1000x256xf32>
    %add3A_15 = arith.addf %mul3A_10, %add3A_14 : vector<1000x256xf32>
    %reduce_sum3A = arith.constant dense<0.000000e+00> : vector<1000xf32>
    %reduce_sum3A_16 = vector.multi_reduction <add>, %add3A_15, %reduce_sum3A [1] : vector<1000x256xf32> to vector<1000xf32>
    %broadcast_in_dim3A = vector.shape_cast %reduce_sum3A_16 : vector<1000xf32> to vector<1000x1xf32>
    %div3A = arith.constant 2.560000e+02 : f32
    %div3A_17 = vector.broadcast %div3A : f32 to vector<1000x1xf32>
    %div3A_18 = arith.divf %broadcast_in_dim3A, %div3A_17 : vector<1000x1xf32>
    %sub3A = vector.broadcast %div3A_18 : vector<1000x1xf32> to vector<1000x256xf32>
    %sub3A_19 = arith.subf %add3A_15, %sub3A : vector<1000x256xf32>
    %integer_pow3A = arith.mulf %sub3A_19, %sub3A_19 : vector<1000x256xf32>
    %reduce_sum3A_20 = arith.constant dense<0.000000e+00> : vector<1000xf32>
    %reduce_sum3A_21 = vector.multi_reduction <add>, %integer_pow3A, %reduce_sum3A_20 [1] : vector<1000x256xf32> to vector<1000xf32>
    %broadcast_in_dim3A_22 = vector.shape_cast %reduce_sum3A_21 : vector<1000xf32> to vector<1000x1xf32>
    %div3A_23 = arith.constant 2.560000e+02 : f32
    %div3A_24 = vector.broadcast %div3A_23 : f32 to vector<1000x1xf32>
    %div3A_25 = arith.divf %broadcast_in_dim3A_22, %div3A_24 : vector<1000x1xf32>
    %sub3A_26 = vector.broadcast %div3A_18 : vector<1000x1xf32> to vector<1000x256xf32>
    %sub3A_27 = arith.subf %add3A_15, %sub3A_26 : vector<1000x256xf32>
    %add3A_28 = arith.constant 9.99999974E-6 : f32
    %add3A_29 = vector.broadcast %add3A_28 : f32 to vector<1000x1xf32>
    %add3A_30 = arith.addf %div3A_25, %add3A_29 : vector<1000x1xf32>
    %sqrt3A = math.sqrt %add3A_30 : vector<1000x1xf32>
    %div3A_31 = vector.broadcast %sqrt3A : vector<1000x1xf32> to vector<1000x256xf32>
    %div3A_32 = arith.divf %sub3A_27, %div3A_31 : vector<1000x256xf32>
    %get3A_33 = arith.constant 0 : index
    %get3A_34 = arith.constant 0 : index
    %get3A_35 = vector.load %arg6[%get3A_33, %get3A_34] : memref<1x256xf32, #tpu.memory_space<vmem>>, vector<1x256xf32>
    %mul3A_36 = vector.broadcast %get3A_35 : vector<1x256xf32> to vector<1000x256xf32>
    %mul3A_37 = arith.mulf %div3A_32, %mul3A_36 : vector<1000x256xf32>
    %get3A_38 = arith.constant 0 : index
    %get3A_39 = arith.constant 0 : index
    %get3A_40 = vector.load %arg7[%get3A_38, %get3A_39] : memref<1x256xf32, #tpu.memory_space<vmem>>, vector<1x256xf32>
    %add3A_41 = vector.broadcast %get3A_40 : vector<1x256xf32> to vector<1000x256xf32>
    %add3A_42 = arith.addf %mul3A_37, %add3A_41 : vector<1000x256xf32>
    %mul3A_43 = arith.constant 5.000000e-01 : f32
    %mul3A_44 = vector.broadcast %mul3A_43 : f32 to vector<1000x256xf32>
    %mul3A_45 = arith.mulf %add3A_42, %mul3A_44 : vector<1000x256xf32>
    %mul3A_46 = arith.constant 0.707106769 : f32
    %mul3A_47 = vector.broadcast %mul3A_46 : f32 to vector<1000x256xf32>
    %mul3A_48 = arith.mulf %add3A_42, %mul3A_47 : vector<1000x256xf32>
    %erf3A = math.erf %mul3A_48 : vector<1000x256xf32>
    %add3A_49 = arith.constant 1.000000e+00 : f32
    %add3A_50 = vector.broadcast %add3A_49 : f32 to vector<1000x256xf32>
    %add3A_51 = arith.addf %add3A_50, %erf3A : vector<1000x256xf32>
    %mul3A_52 = arith.mulf %mul3A_45, %add3A_51 : vector<1000x256xf32>
    %get3A_53 = arith.constant 0 : index
    %get3A_54 = arith.constant 0 : index
    %get3A_55 = vector.load %arg3[%get3A_53, %get3A_54] : memref<1000x256xf32, #tpu.memory_space<vmem>>, vector<1000x256xf32>
    %add3A_56 = arith.addf %mul3A_52, %get3A_55 : vector<1000x256xf32>
    %swap3A = arith.constant 0 : index
    %swap3A_57 = arith.constant 0 : index
    %swap3A_58 = vector.load %arg8[%swap3A, %swap3A_57] : memref<1000x256xf32, #tpu.memory_space<vmem>>, vector<1000x256xf32>
    tpu.vector_store %arg8[%swap3A, %swap3A_57], %add3A_56 {strides = array<i32>} : memref<1000x256xf32, #tpu.memory_space<vmem>>, vector<1000x256xf32>,
    return
  }
  func.func @transform_0(%arg0: i32) -> (i32, i32) {
    %c0_i32 = arith.constant 0 : i32
    %c0_i32_0 = arith.constant 0 : i32
    return %arg0, %c0_i32 : i32, i32
  }
  func.func @transform_1(%arg0: i32) -> (i32, i32) {
    %c0_i32 = arith.constant 0 : i32
    %c0_i32_0 = arith.constant 0 : i32
    return %arg0, %c0_i32 : i32, i32
  }
  func.func @transform_2(%arg0: i32) -> (i32, i32) {
    %c0_i32 = arith.constant 0 : i32
    %c0_i32_0 = arith.constant 0 : i32
    return %arg0, %c0_i32 : i32, i32
  }
  func.func @transform_3(%arg0: i32) -> (i32, i32) {
    %c0_i32 = arith.constant 0 : i32
    %c0_i32_0 = arith.constant 0 : i32
    return %arg0, %c0_i32 : i32, i32
  }
  func.func @transform_4(%arg0: i32) -> (i32, i32) {
    %c0_i32 = arith.constant 0 : i32
    %c0_i32_0 = arith.constant 0 : i32
    %c0_i32_1 = arith.constant 0 : i32
    return %c0_i32, %c0_i32_0 : i32, i32
  }
  func.func @transform_5(%arg0: i32) -> (i32, i32) {
    %c0_i32 = arith.constant 0 : i32
    %c0_i32_0 = arith.constant 0 : i32
    %c0_i32_1 = arith.constant 0 : i32
    return %c0_i32, %c0_i32_0 : i32, i32
  }
  func.func @transform_6(%arg0: i32) -> (i32, i32) {
    %c0_i32 = arith.constant 0 : i32
    %c0_i32_0 = arith.constant 0 : i32
    %c0_i32_1 = arith.constant 0 : i32
    return %c0_i32, %c0_i32_0 : i32, i32
  }
  func.func @transform_7(%arg0: i32) -> (i32, i32) {
    %c0_i32 = arith.constant 0 : i32
    %c0_i32_0 = arith.constant 0 : i32
    return %arg0, %c0_i32 : i32, i32
  }
}

</mosaic_0001>

<sc_bundles>
// kernel: kernel.6.cloned.1.call-start
scs
__scs_entry_jumppad:
0x0: {  	(pc) =	sbr.rel $0x88, $3  }
0x1: {  	(tag) =	ssettag $0x0;
	lr =	simm.s32 $0x1  }
0x2: {  	[smem:$0x3F9B] =	sst lr;
	_ =	strace $0xD0000000  }
0x3: {  	_ = 	snop  }
0x4: {  	_ = 	snop  }
0x5: {  	_ = 	snop  }
0x6: {  	_ = 	snop  }
0x7: {  	_ = 	snop  }
__scs_overlays_trampoline_lowered:
0x8: {  	[smem:$0x3FAA] =	sst s0  }
0x9: {  	[smem:$0x3FAB] =	sst s1  }
0xa: {  	[smem:$0x3FAC] =	sst s2  }
0xb: {  	[smem:$0x3FAD] =	sst s3  }
0xc: {  	[smem:$0x3FAE] =	sst s4  }
0xd: {  	[smem:$0x3FAF] =	sst s5  }
0xe: {  	[smem:$0x3FB0] =	sst s6  }
0xf: {  	[smem:$0x3FB1] =	sst s7  }
0x10: {  	[smem:$0x3FB2] =	sst s8  }
0x11: {  	[smem:$0x3FB3] =	sst s9;
	s0 =	simm.s32 @!p0 $0x0  }
0x12: {  	s1 =	sld [smem:$0x3F99];
	s0 =	simm.s32 @p0 $0x1  }
0x13: {  	[smem:$0x3FB4] =	sst s0;
	s0 =	simm.s32 @!p1 $0x0  }
0x14: {  	s2 =	sld [smem:$0x3F98];
	s0 =	simm.s32 @p1 $0x1  }
0x15: {  	[smem:$0x3FB5] =	sst s0;
	s0 =	simm.s32 @!p2 $0x0  }
0x16: {  	s3 =	sld [smem:$0x3FDB];
	s0 =	simm.s32 @p2 $0x1  }
0x17: {  	s4 =	simm.s32 $0x1BF5;
	[smem:$0x3FB7] =	sst s0  }
0x18: {  	s0 =	sld [smem:$0x3F9A];
	_ =	swait.ge [sflag:s4], $0x0  }
0x19: {  	s7 =	sld [smem:$0x3F9B]  }
0x1a: {  	s8 =	sadd.s32 $0xFFFFE003, lr  }
0x1b: {  	s9 =	sadd.s32 $0xFFFFFEF7, lr;
	s5 =	simm.s32 $0xFFFFFFFF;
	p2 =	slt.u32 s8, $0xFFFFF086  }
0x1c: {  	p1 =	slt.u32 s9, $0xF7A;
	s5 =	simm.s32 @!p2 $0x0  }
0x1d: {  	s5 =	simm.s32 @p1 $0x1;
	p0 =	seq.s32 s7, s2  }
0x1e: {  	s7 =	smul.u32 @!p0 $0xF7A, s2;
	p2 =	seq.s32 @!p0 s5, $0x0  }
0x1f: {  	s9 =	smul.u32 $0xF7A, s1;
	s8 =	simm.s32 @!p0 $0x1BF5;
	p2 =	por !p2, p0  }
0x20: {  	[sflag:s8] =	ssyncset.s32 @!p0 $0xFFFFF086;
	s6 =	sadd.s32 @!p0 s3, s7;
	s7 =	simm.s32 @!p0 $0x108  }
0x21: {  	s3 =	sadd.s32 s3, s9;
	s6 =	sadd.s32 @!p0 $0x88, s6;
	s7 =	simm.s32 @p2 $0x1082  }
0x22: {  	[simem:s7], [sflag:s8] =	dma.local @!p0 [hbm:s6], $0xF7A  }
0x23: {  	s9 =	sor.u32 $0xD0000000, s2;
	s6 =	simm.s32 $0x108;
	_ =	swait.ge @!p0 [sflag:s8], $0x0  }
0x24: {  	s3 =	sadd.s32 $0x88, s3;
	s6 =	simm.s32 @!p1 $0x1082;
	[sflag:s4] =	ssyncset.s32 $0xFFFFF086  }
0x25: {  	[simem:s6], [sflag:s4] =	dma.local [hbm:s3], $0xF7A  }
0x26: {  	[smem:$0x3F9B] =	sst s1;
	(tag) =	ssettag s2;
	_ =	strace s9  }
0x27: {  	s1 =	sld [smem:$0x3FAB]  }
0x28: {  	s2 =	sld [smem:$0x3FAC]  }
0x29: {  	s4 =	sld [smem:$0x3FAE]  }
0x2a: {  	p0 =	seq.s32 s5, $0x0;
	s5 =	sld [smem:$0x3FAF]  }
0x2b: {  	s6 =	sld [smem:$0x3FB0]  }
0x2c: {  	s7 =	sld [smem:$0x3FB1]  }
0x2d: {  	s3 =	simm.s32 $0x108;
	s8 =	sld [smem:$0x3FB2]  }
0x2e: {  	s3 =	simm.s32 @!p0 $0x1082;
	s9 =	sld [smem:$0x3FB3]  }
0x2f: {  	lr =	sadd.s32 s0, s3;
	s0 =	sld [smem:$0x3FAA]  }
0x30: {  	s3 =	sld [smem:$0x3FAD]  }
0x31: {  	[smem:$0x3FB6] =	sst s10  }
0x32: {  	s10 =	sld [smem:$0x3FB4];
	_ =	sdelay $0x3  }
0x33: {  	p0 =	seq.s32 s10, $0x1;
	s10 =	sld [smem:$0x3FB6];
	_ =	sdelay $0x3  }
0x34: {  	[smem:$0x3FB6] =	sst s10  }
0x35: {  	s10 =	sld [smem:$0x3FB5];
	_ =	sdelay $0x3  }
0x36: {  	p1 =	seq.s32 s10, $0x1;
	s10 =	sld [smem:$0x3FB6];
	_ =	sdelay $0x3  }
0x37: {  	[smem:$0x3FB6] =	sst s10  }
0x38: {  	s10 =	sld [smem:$0x3FB7]  }
0x39: {  	_ = 	snop;
	(pc) =	sbr.ind lr, $3  }
0x3a: {  	_ = 	snop  }
0x3b: {  	_ = 	snop  }
0x3c: {  	p2 =	seq.s32 s10, $0x1;
	s10 =	sld [smem:$0x3FB6]  }
0x3d: {  	_ =	shalt  }
0x3e: {  	_ =	shalt  }
0x3f: {  	_ =	shalt  }
0x40: {  	_ =	shalt  }
0x41: {  	_ =	shalt  }
0x42: {  	_ =	shalt  }
0x43: {  	_ =	shalt  }
0x44: {  	_ =	shalt  }
0x45: {  	_ =	shalt  }
0x46: {  	_ =	shalt  }
0x47: {  	_ =	shalt  }
0x48: {  	_ =	shalt  }
0x49: {  	_ =	shalt  }
0x4a: {  	_ =	shalt  }
0x4b: {  	_ =	shalt  }
0x4c: {  	_ =	shalt  }
0x4d: {  	_ =	shalt  }
0x4e: {  	_ =	shalt  }
0x4f: {  	_ =	shalt  }
0x50: {  	_ =	shalt  }
0x51: {  	_ =	shalt  }
0x52: {  	_ =	shalt  }
0x53: {  	_ =	shalt  }
0x54: {  	_ =	shalt  }
0x55: {  	_ =	shalt  }
0x56: {  	_ =	shalt  }
0x57: {  	_ =	shalt  }
0x58: {  	_ =	shalt  }
0x59: {  	_ =	shalt  }
0x5a: {  	_ =	shalt  }
0x5b: {  	_ =	shalt  }
0x5c: {  	_ =	shalt  }
0x5d: {  	_ =	shalt  }
0x5e: {  	_ =	shalt  }
0x5f: {  	_ =	shalt  }
0x60: {  	_ =	shalt  }
0x61: {  	_ =	shalt  }
0x62: {  	_ =	shalt  }
0x63: {  	_ =	shalt  }
0x64: {  	_ =	shalt  }
0x65: {  	_ =	shalt  }
0x66: {  	_ =	shalt  }
0x67: {  	_ =	shalt  }
0x68: {  	_ =	shalt  }
0x69: {  	_ =	shalt  }
0x6a: {  	_ =	shalt  }
0x6b: {  	_ =	shalt  }
0x6c: {  	_ =	shalt  }
0x6d: {  	_ =	shalt  }
0x6e: {  	_ =	shalt  }
0x6f: {  	_ =	shalt  }
0x70: {  	_ =	shalt  }
0x71: {  	_ =	shalt  }
0x72: {  	_ =	shalt  }
0x73: {  	_ =	shalt  }
0x74: {  	_ =	shalt  }
0x75: {  	_ =	shalt  }
0x76: {  	_ =	shalt  }
0x77: {  	_ =	shalt  }
0x78: {  	_ =	shalt  }
0x79: {  	_ =	shalt  }
0x7a: {  	_ =	shalt  }
0x7b: {  	_ =	shalt  }
0x7c: {  	_ =	shalt  }
0x7d: {  	_ =	shalt  }
0x7e: {  	_ =	shalt  }
0x7f: {  	_ =	shalt  }
0x80: {  	_ =	shalt  }
0x81: {  	_ =	shalt  }
0x82: {  	_ =	shalt  }
0x83: {  	_ =	shalt  }
0x84: {  	_ =	shalt  }
0x85: {  	_ =	shalt  }
0x86: {  	_ =	shalt  }
0x87: {  	_ =	shalt  }
.Lfunc_end0:
.L_simem_size_0:
called_computation_lowered:
.L_overlay_start_0:
0x88: {  	s2 =	sld [smem:$0x3FD9]  }
0x89: {  	s3 =	sld [smem:$0x3FFE];
	_ =	sdelay $0x1  }
0x8a: {  	s1 =	srdreg.scid  }
0x8b: {  	s0 =	sand.u32 $0x1, s1  }
0x8c: {  	s17 =	sshll.u32 s0, $0xA;
	s2 =	sadd.s32 s3, s2  }
0x8d: {  	s2 =	sadd.s32 s2, s17  }
0x8e: {  	[smem:$0x3FC2] =	sst s2  }
0x8f: {  	_ = 	snop  }
0x90: {  	s2 =	sld [smem:$0x3FD0];
	(tm) =	ssettm $0x1  }
0x91: {  	s18 =	sld [smem:$0x3FFB];
	_ =	sdelay $0x3  }
0x92: {  	_ =	strace s18  }
0x93: {  	s3 =	sld [smem:$0x3FFC];
	_ =	sdelay $0x3  }
0x94: {  	_ =	strace s3  }
0x95: {  	s3 =	sld [smem:$0x3FFD];
	_ =	sdelay $0x3  }
0x96: {  	_ =	strace s3  }
0x97: {  	_ =	strace $0x8FFFFFFF  }
0x98: {  	s19 =	sld [smem:$0x3FDB];
	_ =	sdelay $0x1  }
0x99: {  	s4 =	simm.s32 $_scs_section_size  }
0x9a: {  	s5 =	simm.s32 $_size__tile_overlayer_lowered;
	s6 =	simm.s32 $_tile_overlayer_lowered  }
0x9b: {  	s22 =	simm.s32 $0x1BFF;
	s21 =	sshll.u32 s6, $0x1;
	s3 =	sadd.s32 s4, s19  }
0x9c: {  	s7 =	simm.s32 $0x0;
	s20 =	sshll.u32 s5, $0x1;
	s5 =	sadd.s32 s21, s3  }
0x9d: {  	[timem:s7], [sflag:s22] =	dma.local [hbm:s5], s20  }
0x9e: {  	_ =	swait.ge [sflag:s22], s20  }
0x9f: {  	s4 =	ssub.s32 $0x0, s20;
	[sflag:s22] =	ssyncset.done $0x0  }
0xa0: {  	[sflag:s22] =	ssyncadd.s32 s4;
	_ =	sdelay $0x1  }
0xa1: {  	s23 =	simm.s32 $0x1B8B  }
0xa2: {  	_ =	swait.ge [sflag:s23], $0x1  }
0xa3: {  	[sflag:s23] =	ssyncset.done $0x0  }
0xa4: {  	s25 =	simm.s32 $0x1B8E;
	s24 =	sld [smem:$0x3FFE];
	[sflag:s23] =	ssyncadd.s32 $0xFFFFFFFF  }
0xa5: {  	s26 =	simm.s32 $execute0_lowered;
	[smem:$0x3FD2] =	sst s25  }
0xa6: {  	s5 =	sshll.u32 s26, $0x1;
	_ =	strace $0x80000046;
	[dreg:$0x1] =	wrdreg $0xFFFFFFFF  }
0xa7: {  	s28 =	simm.s32 $_size_execute0_lowered;
	s3 =	sadd.s32 s3, s5;
	[dreg:$0x0] =	wrdreg $0x0  }
0xa8: {  	s5 =	sshll.u32 s28, $0x1;
	[dreg:$0x2] =	wrdreg s3  }
0xa9: {  	[dreg:$0x3] =	wrdreg s5  }
0xaa: {  	[dreg:$0x4] =	wrdreg $0xC0  }
0xab: {  	_ =	task [dreg:s7], $0x5FFFF  }
0xac: {  	[dreg:$0x1] =	wrdreg $0xFFFFFFFF  }
0xad: {  	[dreg:$0x0] =	wrdreg $0x60  }
0xae: {  	[dreg:$0x2] =	wrdreg s24  }
0xaf: {  	[dreg:$0x3] =	wrdreg s2  }
0xb0: {  	[dreg:$0x4] =	wrdreg $0x2B000  }
0xb1: {  	[dreg:$0x5] =	wrdreg $0x9  }
0xb2: {  	_ =	task.clear_ibuf [dreg:s7], $0x6FFFF;
	_ =	strace $0x90000046  }
0xb3: {  	s29 =	simm.s32 $0x9;
	_ =	strace $0x80000048  }
0xb4: {  	_ =	swait.ge [sflag:s29], $0x1  }
0xb5: {  	[sflag:s29] =	ssyncadd.s32 $0xFFFFFFFF  }
0xb6: {  	_ =	strace $0x90000048  }
0xb7: {  	_ =	sfence  }
0xb8: {  	s30 =	sld [smem:$0x0];
	_ =	sdelay $0x2  }
0xb9: {  	s31 =	sshll.u32 s1, $0xD;
	s1 =	sshrl.u32 s1, $0x2  }
0xba: {  	s3 =	sand.u32 $0x4000, s31;
	s1 =	sadd.s32 s1, s30  }
0xbb: {  	s0 =	sor.u32 s3, s0;
	s1 =	sshll.u32 s1, $0x11  }
0xbc: {  	s0 =	sor.u32 s1, s0  }
0xbd: {  	s0 =	sadd.s32 $0x8F2B, s0  }
0xbe: {  	[sflag:s0] =	ssyncadd.remote.s32 $0x1  }
0xbf: {  	_ =	sfence.sel $0xFFFF  }
0xc0: {  	[dreg:$0x0] =	wrdreg $0xFFFFFFFF;
	(pc) =	sbr.abs _section_cstart, $3  }
0xc1: {  	[dreg:$0x1] =	wrdreg $0xFFFFFFFF  }
0xc2: {  	_ =	task.clear_ibuf [dreg:s7], $0x2FFFF;
	_ =	strace $0x9FFFFFFF  }
0xc3: {  	(tm) =	ssettm $0x7FFFFFFF  }
tec
execute0_lowered:
.L_overlay_start_1:
0x0: {  	(tag) =	ssettag $0x1  }
0x1: {  	s1 =	srdreg.scid  }
0x2: {  	s1 =	sand.u32 $0x1, s1  }
0x3: {  	p0 =	seq.s32 s1, $0x1  }
.Ltmp0:
0x4: {  	s4 =	rddreg [dreg:$0x0];
	(pc) =	sbr.rel @p0 .LBB2_4-.Ltmp0, $4  }
0x5: {  	s3 =	rddreg [dreg:$0x1]  }
0x6: {  	s2 =	rddreg [dreg:$0x2];
	s5 =	simm.s32 $0x0  }
0x7: {  	[smem:$0x7FF] =	sst s5  }
0x8: {  	s0 =	rddreg [dreg:$0x3];
	_ =	strace $0x80000047;
	s1 =	stileid.u32  }
0x9: {  	v0 =	vimm.f32 $1.000000000e+00  }
0xa: {  	[tilespmem:$0x2800] =	vst v0  }
0xb: {  	[tilespmem:$0x2810] =	vst v0  }
0xc: {  	[tilespmem:$0x2820] =	vst v0  }
0xd: {  	[tilespmem:$0x2830] =	vst v0  }
0xe: {  	[tilespmem:$0x2840] =	vst v0  }
0xf: {  	[tilespmem:$0x2850] =	vst v0  }
0x10: {  	[tilespmem:$0x2860] =	vst v0  }
0x11: {  	v63 =	vimm.f32 $0.0e+00;
	[tilespmem:$0x2870] =	vst v0  }
0x12: {  	[tilespmem:$0x2880] =	vst v63  }
0x13: {  	[tilespmem:$0x2890] =	vst v63  }
0x14: {  	[tilespmem:$0x28A0] =	vst v63  }
0x15: {  	[tilespmem:$0x28B0] =	vst v63  }
0x16: {  	[tilespmem:$0x28C0] =	vst v63  }
0x17: {  	[tilespmem:$0x28D0] =	vst v63  }
0x18: {  	[tilespmem:$0x28E0] =	vst v63  }
0x19: {  	[tilespmem:$0x28F0] =	vst v63  }
0x1a: {  	[tilespmem:$0x2900] =	vst v63  }
0x1b: {  	[tilespmem:$0x2910] =	vst v63  }
0x1c: {  	[tilespmem:$0x2920] =	vst v63  }
0x1d: {  	[tilespmem:$0x2930] =	vst v63  }
0x1e: {  	[tilespmem:$0x2940] =	vst v63  }
0x1f: {  	[tilespmem:$0x2950] =	vst v63  }
0x20: {  	[tilespmem:$0x2960] =	vst v63  }
0x21: {  	[tilespmem:$0x2970] =	vst v63  }
0x22: {  	[tilespmem:$0x2980] =	vst v63  }
0x23: {  	[tilespmem:$0x2990] =	vst v63  }
0x24: {  	[tilespmem:$0x29A0] =	vst v63  }
0x25: {  	[tilespmem:$0x29B0] =	vst v63  }
0x26: {  	[tilespmem:$0x29C0] =	vst v63  }
0x27: {  	[tilespmem:$0x29D0] =	vst v63  }
0x28: {  	[tilespmem:$0x29E0] =	vst v63  }
0x29: {  	[tilespmem:$0x29F0] =	vst v63  }
0x2a: {  	[tilespmem:$0x2A00] =	vst v63  }
0x2b: {  	[tilespmem:$0x2A10] =	vst v63  }
0x2c: {  	[tilespmem:$0x2A20] =	vst v63  }
0x2d: {  	[tilespmem:$0x2A30] =	vst v63  }
0x2e: {  	[tilespmem:$0x2A40] =	vst v63  }
0x2f: {  	[tilespmem:$0x2A50] =	vst v63  }
0x30: {  	[tilespmem:$0x2A60] =	vst v63  }
0x31: {  	[tilespmem:$0x2A70] =	vst v63  }
0x32: {  	[tilespmem:$0x2A80] =	vst v63  }
0x33: {  	[tilespmem:$0x2A90] =	vst v63  }
0x34: {  	[tilespmem:$0x2AA0] =	vst v63  }
0x35: {  	[tilespmem:$0x2AB0] =	vst v63  }
0x36: {  	[tilespmem:$0x2AC0] =	vst v63  }
0x37: {  	s8 =	smul.u32 $0x280, s1;
	[tilespmem:$0x2AD0] =	vst v63  }
0x38: {  	[tilespmem:$0x2AE0] =	vst v63  }
0x39: {  	s7 =	simm.s32 $0x2880;
	[tilespmem:$0x2AF0] =	vst v63;
	s6 =	sadd.s32 s8, s2  }
0x3a: {  	[spmem:s6] =	stream.linear.scatter [tilespmem:s7], [sflag:$0x1], $0x280, $0x38;
	[tilespmem:$0x2D80] =	vst v63  }
0x3b: {  	s7 =	simm.s32 $0x1  }
0x3c: {  	_ =	swait.ge [sflag:s7], $0x280  }
0x3d: {  	s9 =	smul.u32 $0x500, s1;
	[sflag:s7] =	ssyncset.done $0x0  }
0x3e: {  	s4 =	sadd.s32 $0x6800, s4;
	[sflag:s7] =	ssyncadd.s32 $0xFFFFFD80  }
0x3f: {  	s4 =	sadd.s32 s4, s9;
	[bflag:$0x0] =	sbarrier.arrive $0xFFFF  }
0x40: {  	[tilespmem:s5], [sflag:$0x1] =	stream.linear.gather [hbm4b:s4+s5], $0x2800, $0x38;
	[tilespmem:$0x2D80] =	vst v63  }
0x41: {  	_ =	swait.ge [sflag:s7], $0x2800  }
0x42: {  	s31 =	simm.s32 $0x0;
	[sflag:s7] =	ssyncset.done $0x0  }
0x43: {  	s4 =	simm.s32 $0x80;
	s5 =	simm.s32 $0x2800;
	[sflag:s7] =	ssyncadd.s32 $0xFFFFD800  }
0x44: {  	[spmem:s2] =	stream.indirect.scatter.add.f32 [tilespmem:s5], [sflag:$0x1], $0x1, s31, s4, $0xb8;
	[tilespmem:$0x2D80] =	vst v63  }
0x45: {  	s8 =	sshrl.u32 s8, $0x3;
	_ =	swait.ge [sflag:s7], $0x80  }
0x46: {  	s3 =	sadd.s32 s3, s8;
	s8 =	simm.s32 $0x200;
	[sflag:s7] =	ssyncset.done $0x0  }
.LBB2_2:
0x47: {  	s9 =	sshra.s32 s8, $0x2;
	[sflag:s7] =	ssyncadd.s32 $0xFFFFFF80;
	p0 =	sne.s32 s8, $0x9E00  }
0x48: {  	[spmem:s2] =	stream.indirect.scatter.add.f32 [tilespmem:s5], [sflag:$0x1], $0x1, s9, s4, $0xb8;
	[tilespmem:$0x2D80] =	vst v63  }
.Ltmp1:
0x49: {  	_ = 	snop;
	(pc) =	sbr.rel @p0 .LBB2_2-.Ltmp1, $4  }
0x4a: {  	_ = 	snop  }
0x4b: {  	s8 =	sadd.s32 $0x200, s8  }
0x4c: {  	_ =	swait.ge [sflag:s7], $0x80  }
0x4d: {  	[sflag:s7] =	ssyncset.done $0x0  }
0x4e: {  	[sflag:s7] =	ssyncadd.s32 $0xFFFFFF80;
	s2 =	sshll.u32 s1, $0x6;
	s4 =	sshrl.u32 s6, $0x3  }
0x4f: {  	s31 =	simm.s32 $0x1;
	[bflag:$0x0] =	sbarrier.arrive $0xFFFF;
	s2 =	sor.u32 $0x1C01, s2  }
0x50: {  	[hbm:s3], [sflag:s2] =	dma.local [spmem:s4], $0x50  }
0x51: {  	_ =	swait.ge [sflag:s31], $0x50  }
0x52: {  	[sflag:s31] =	ssyncset.done $0x0  }
0x53: {  	[sflag:s31] =	ssyncadd.s32 $0xFFFFFFB0  }
.LBB2_4:
0x54: {  	_ =	sfence.sel $0x180000  }
0x55: {  	[bflag:$0x0] =	sbarrier.arrive $0xFFFF  }
0x56: {  	p0 =	sne.s32 s1, $0x0;
	_ =	strace $0x90000047  }
0x57: {  	s0 =	sadd.s32 @!p0 $0x100000, s0;
	[bflag:$0x2] =	sbarrier.arrive $0xFFFF  }
0x58: {  	[sflag:s0] =	ssyncadd.tile.s32 @!p0 $0x1;
	_ =	shalt  }
.Lfunc_end2:
_tile_overlayer_lowered:
.L_overlay_start_2:
0x59: {  	(tag) =	ssettag $0x2  }
0x5a: {  	s0 =	rddreg [dreg:$0x0];
	s2 =	stileid.u32  }
0x5b: {  	s1 =	rddreg [dreg:$0x1];
	p0 =	sne.s32 s2, $0x0  }
0x5c: {  	s3 =	rddreg [dreg:$0x2];
	[bflag:$0x3] =	sbarrier.arrive $0xFFFF;
	s2 =	simm.s32 @!p0 $0x1C01  }
0x5d: {  	[timem:s3], [sflag:s2] =	dma.local @!p0 [hbm:s0], s1  }
0x5e: {  	s0 =	simm.s32 @!p0 $0x1  }
0x5f: {  	_ =	swait.ge @!p0 [sflag:s0], s1  }
0x60: {  	s1 =	ssub.s32 @!p0 $0x0, s1;
	[sflag:s0] =	ssyncset.done @!p0 $0x0  }
0x61: {  	[sflag:s0] =	ssyncadd.s32 @!p0 s1  }
0x62: {  	[bflag:$0x3] =	sbarrier.arrive $0xFFFF  }
0x63: {  	_ =	shalt  }

// kernel: kernel.9.cloned.1.call-start
scs
__scs_entry_jumppad:
0x0: {  	(pc) =	sbr.rel $0x88, $3  }
0x1: {  	(tag) =	ssettag $0x0;
	lr =	simm.s32 $0x1  }
0x2: {  	[smem:$0x3F9B] =	sst lr;
	_ =	strace $0xD0000000  }
0x3: {  	_ = 	snop  }
0x4: {  	_ = 	snop  }
0x5: {  	_ = 	snop  }
0x6: {  	_ = 	snop  }
0x7: {  	_ = 	snop  }
__scs_overlays_trampoline_lowered:
0x8: {  	[smem:$0x3FAA] =	sst s0  }
0x9: {  	[smem:$0x3FAB] =	sst s1  }
0xa: {  	[smem:$0x3FAC] =	sst s2  }
0xb: {  	[smem:$0x3FAD] =	sst s3  }
0xc: {  	[smem:$0x3FAE] =	sst s4  }
0xd: {  	[smem:$0x3FAF] =	sst s5  }
0xe: {  	[smem:$0x3FB0] =	sst s6  }
0xf: {  	[smem:$0x3FB1] =	sst s7  }
0x10: {  	[smem:$0x3FB2] =	sst s8  }
0x11: {  	[smem:$0x3FB3] =	sst s9;
	s0 =	simm.s32 @!p0 $0x0  }
0x12: {  	s1 =	sld [smem:$0x3F99];
	s0 =	simm.s32 @p0 $0x1  }
0x13: {  	[smem:$0x3FB4] =	sst s0;
	s0 =	simm.s32 @!p1 $0x0  }
0x14: {  	s2 =	sld [smem:$0x3F98];
	s0 =	simm.s32 @p1 $0x1  }
0x15: {  	[smem:$0x3FB5] =	sst s0;
	s0 =	simm.s32 @!p2 $0x0  }
0x16: {  	s3 =	sld [smem:$0x3FDB];
	s0 =	simm.s32 @p2 $0x1  }
0x17: {  	s4 =	simm.s32 $0x1BF5;
	[smem:$0x3FB7] =	sst s0  }
0x18: {  	s0 =	sld [smem:$0x3F9A];
	_ =	swait.ge [sflag:s4], $0x0  }
0x19: {  	s7 =	sld [smem:$0x3F9B]  }
0x1a: {  	s8 =	sadd.s32 $0xFFFFE003, lr  }
0x1b: {  	s9 =	sadd.s32 $0xFFFFFEF7, lr;
	s5 =	simm.s32 $0xFFFFFFFF;
	p2 =	slt.u32 s8, $0xFFFFF086  }
0x1c: {  	p1 =	slt.u32 s9, $0xF7A;
	s5 =	simm.s32 @!p2 $0x0  }
0x1d: {  	s5 =	simm.s32 @p1 $0x1;
	p0 =	seq.s32 s7, s2  }
0x1e: {  	s7 =	smul.u32 @!p0 $0xF7A, s2;
	p2 =	seq.s32 @!p0 s5, $0x0  }
0x1f: {  	s9 =	smul.u32 $0xF7A, s1;
	s8 =	simm.s32 @!p0 $0x1BF5;
	p2 =	por !p2, p0  }
0x20: {  	[sflag:s8] =	ssyncset.s32 @!p0 $0xFFFFF086;
	s6 =	sadd.s32 @!p0 s3, s7;
	s7 =	simm.s32 @!p0 $0x108  }
0x21: {  	s3 =	sadd.s32 s3, s9;
	s6 =	sadd.s32 @!p0 $0x88, s6;
	s7 =	simm.s32 @p2 $0x1082  }
0x22: {  	[simem:s7], [sflag:s8] =	dma.local @!p0 [hbm:s6], $0xF7A  }
0x23: {  	s9 =	sor.u32 $0xD0000000, s2;
	s6 =	simm.s32 $0x108;
	_ =	swait.ge @!p0 [sflag:s8], $0x0  }
0x24: {  	s3 =	sadd.s32 $0x88, s3;
	s6 =	simm.s32 @!p1 $0x1082;
	[sflag:s4] =	ssyncset.s32 $0xFFFFF086  }
0x25: {  	[simem:s6], [sflag:s4] =	dma.local [hbm:s3], $0xF7A  }
0x26: {  	[smem:$0x3F9B] =	sst s1;
	(tag) =	ssettag s2;
	_ =	strace s9  }
0x27: {  	s1 =	sld [smem:$0x3FAB]  }
0x28: {  	s2 =	sld [smem:$0x3FAC]  }
0x29: {  	s4 =	sld [smem:$0x3FAE]  }
0x2a: {  	p0 =	seq.s32 s5, $0x0;
	s5 =	sld [smem:$0x3FAF]  }
0x2b: {  	s6 =	sld [smem:$0x3FB0]  }
0x2c: {  	s7 =	sld [smem:$0x3FB1]  }
0x2d: {  	s3 =	simm.s32 $0x108;
	s8 =	sld [smem:$0x3FB2]  }
0x2e: {  	s3 =	simm.s32 @!p0 $0x1082;
	s9 =	sld [smem:$0x3FB3]  }
0x2f: {  	lr =	sadd.s32 s0, s3;
	s0 =	sld [smem:$0x3FAA]  }
0x30: {  	s3 =	sld [smem:$0x3FAD]  }
0x31: {  	[smem:$0x3FB6] =	sst s10  }
0x32: {  	s10 =	sld [smem:$0x3FB4];
	_ =	sdelay $0x3  }
0x33: {  	p0 =	seq.s32 s10, $0x1;
	s10 =	sld [smem:$0x3FB6];
	_ =	sdelay $0x3  }
0x34: {  	[smem:$0x3FB6] =	sst s10  }
0x35: {  	s10 =	sld [smem:$0x3FB5];
	_ =	sdelay $0x3  }
0x36: {  	p1 =	seq.s32 s10, $0x1;
	s10 =	sld [smem:$0x3FB6];
	_ =	sdelay $0x3  }
0x37: {  	[smem:$0x3FB6] =	sst s10  }
0x38: {  	s10 =	sld [smem:$0x3FB7]  }
0x39: {  	_ = 	snop;
	(pc) =	sbr.ind lr, $3  }
0x3a: {  	_ = 	snop  }
0x3b: {  	_ = 	snop  }
0x3c: {  	p2 =	seq.s32 s10, $0x1;
	s10 =	sld [smem:$0x3FB6]  }
0x3d: {  	_ =	shalt  }
0x3e: {  	_ =	shalt  }
0x3f: {  	_ =	shalt  }
0x40: {  	_ =	shalt  }
0x41: {  	_ =	shalt  }
0x42: {  	_ =	shalt  }
0x43: {  	_ =	shalt  }
0x44: {  	_ =	shalt  }
0x45: {  	_ =	shalt  }
0x46: {  	_ =	shalt  }
0x47: {  	_ =	shalt  }
0x48: {  	_ =	shalt  }
0x49: {  	_ =	shalt  }
0x4a: {  	_ =	shalt  }
0x4b: {  	_ =	shalt  }
0x4c: {  	_ =	shalt  }
0x4d: {  	_ =	shalt  }
0x4e: {  	_ =	shalt  }
0x4f: {  	_ =	shalt  }
0x50: {  	_ =	shalt  }
0x51: {  	_ =	shalt  }
0x52: {  	_ =	shalt  }
0x53: {  	_ =	shalt  }
0x54: {  	_ =	shalt  }
0x55: {  	_ =	shalt  }
0x56: {  	_ =	shalt  }
0x57: {  	_ =	shalt  }
0x58: {  	_ =	shalt  }
0x59: {  	_ =	shalt  }
0x5a: {  	_ =	shalt  }
0x5b: {  	_ =	shalt  }
0x5c: {  	_ =	shalt  }
0x5d: {  	_ =	shalt  }
0x5e: {  	_ =	shalt  }
0x5f: {  	_ =	shalt  }
0x60: {  	_ =	shalt  }
0x61: {  	_ =	shalt  }
0x62: {  	_ =	shalt  }
0x63: {  	_ =	shalt  }
0x64: {  	_ =	shalt  }
0x65: {  	_ =	shalt  }
0x66: {  	_ =	shalt  }
0x67: {  	_ =	shalt  }
0x68: {  	_ =	shalt  }
0x69: {  	_ =	shalt  }
0x6a: {  	_ =	shalt  }
0x6b: {  	_ =	shalt  }
0x6c: {  	_ =	shalt  }
0x6d: {  	_ =	shalt  }
0x6e: {  	_ =	shalt  }
0x6f: {  	_ =	shalt  }
0x70: {  	_ =	shalt  }
0x71: {  	_ =	shalt  }
0x72: {  	_ =	shalt  }
0x73: {  	_ =	shalt  }
0x74: {  	_ =	shalt  }
0x75: {  	_ =	shalt  }
0x76: {  	_ =	shalt  }
0x77: {  	_ =	shalt  }
0x78: {  	_ =	shalt  }
0x79: {  	_ =	shalt  }
0x7a: {  	_ =	shalt  }
0x7b: {  	_ =	shalt  }
0x7c: {  	_ =	shalt  }
0x7d: {  	_ =	shalt  }
0x7e: {  	_ =	shalt  }
0x7f: {  	_ =	shalt  }
0x80: {  	_ =	shalt  }
0x81: {  	_ =	shalt  }
0x82: {  	_ =	shalt  }
0x83: {  	_ =	shalt  }
0x84: {  	_ =	shalt  }
0x85: {  	_ =	shalt  }
0x86: {  	_ =	shalt  }
0x87: {  	_ =	shalt  }
.Lfunc_end0:
.L_simem_size_0:
called_computation.1_lowered:
.L_overlay_start_0:
0x88: {  	s2 =	sld [smem:$0x3FD9]  }
0x89: {  	s3 =	sld [smem:$0x3FFE];
	_ =	sdelay $0x1  }
0x8a: {  	s1 =	srdreg.scid  }
0x8b: {  	s0 =	sand.u32 $0x1, s1  }
0x8c: {  	s17 =	sshll.u32 s0, $0xA;
	s2 =	sadd.s32 s3, s2  }
0x8d: {  	s2 =	sadd.s32 s2, s17  }
0x8e: {  	[smem:$0x3FC2] =	sst s2  }
0x8f: {  	_ = 	snop  }
0x90: {  	s2 =	sld [smem:$0x3FD0];
	(tm) =	ssettm $0x1  }
0x91: {  	s18 =	sld [smem:$0x3FFB];
	_ =	sdelay $0x3  }
0x92: {  	_ =	strace s18  }
0x93: {  	s3 =	sld [smem:$0x3FFC];
	_ =	sdelay $0x3  }
0x94: {  	_ =	strace s3  }
0x95: {  	s3 =	sld [smem:$0x3FFD];
	_ =	sdelay $0x3  }
0x96: {  	_ =	strace s3  }
0x97: {  	_ =	strace $0x8FFFFFFF  }
0x98: {  	s19 =	sld [smem:$0x3FDB];
	_ =	sdelay $0x1  }
0x99: {  	s4 =	simm.s32 $_scs_section_size  }
0x9a: {  	s5 =	simm.s32 $_size__tile_overlayer_lowered;
	s6 =	simm.s32 $_tile_overlayer_lowered  }
0x9b: {  	s22 =	simm.s32 $0x1BFF;
	s21 =	sshll.u32 s6, $0x1;
	s3 =	sadd.s32 s4, s19  }
0x9c: {  	s7 =	simm.s32 $0x0;
	s20 =	sshll.u32 s5, $0x1;
	s5 =	sadd.s32 s21, s3  }
0x9d: {  	[timem:s7], [sflag:s22] =	dma.local [hbm:s5], s20  }
0x9e: {  	_ =	swait.ge [sflag:s22], s20  }
0x9f: {  	s4 =	ssub.s32 $0x0, s20;
	[sflag:s22] =	ssyncset.done $0x0  }
0xa0: {  	[sflag:s22] =	ssyncadd.s32 s4;
	_ =	sdelay $0x1  }
0xa1: {  	s23 =	simm.s32 $0x1B8B  }
0xa2: {  	_ =	swait.ge [sflag:s23], $0x1  }
0xa3: {  	[sflag:s23] =	ssyncset.done $0x0  }
0xa4: {  	s25 =	simm.s32 $0x1B8E;
	s24 =	sld [smem:$0x3FFE];
	[sflag:s23] =	ssyncadd.s32 $0xFFFFFFFF  }
0xa5: {  	s26 =	simm.s32 $execute0_lowered;
	[smem:$0x3FD2] =	sst s25  }
0xa6: {  	s5 =	sshll.u32 s26, $0x1;
	_ =	strace $0x80000049;
	[dreg:$0x1] =	wrdreg $0xFFFFFFFF  }
0xa7: {  	s28 =	simm.s32 $_size_execute0_lowered;
	s3 =	sadd.s32 s3, s5;
	[dreg:$0x0] =	wrdreg $0x0  }
0xa8: {  	s5 =	sshll.u32 s28, $0x1;
	[dreg:$0x2] =	wrdreg s3  }
0xa9: {  	[dreg:$0x3] =	wrdreg s5  }
0xaa: {  	[dreg:$0x4] =	wrdreg $0xC0  }
0xab: {  	_ =	task [dreg:s7], $0x5FFFF  }
0xac: {  	[dreg:$0x1] =	wrdreg $0xFFFFFFFF  }
0xad: {  	[dreg:$0x0] =	wrdreg $0x60  }
0xae: {  	[dreg:$0x2] =	wrdreg s2  }
0xaf: {  	[dreg:$0x3] =	wrdreg s24  }
0xb0: {  	[dreg:$0x4] =	wrdreg $0x90000  }
0xb1: {  	[dreg:$0x5] =	wrdreg $0x9  }
0xb2: {  	_ =	task.clear_ibuf [dreg:s7], $0x6FFFF;
	_ =	strace $0x90000049  }
0xb3: {  	s29 =	simm.s32 $0x9;
	_ =	strace $0x8000004B  }
0xb4: {  	_ =	swait.ge [sflag:s29], $0x1  }
0xb5: {  	[sflag:s29] =	ssyncadd.s32 $0xFFFFFFFF  }
0xb6: {  	_ =	strace $0x9000004B  }
0xb7: {  	_ =	sfence  }
0xb8: {  	s30 =	sld [smem:$0x0];
	_ =	sdelay $0x2  }
0xb9: {  	s31 =	sshll.u32 s1, $0xD;
	s1 =	sshrl.u32 s1, $0x2  }
0xba: {  	s3 =	sand.u32 $0x4000, s31;
	s1 =	sadd.s32 s1, s30  }
0xbb: {  	s0 =	sor.u32 s3, s0;
	s1 =	sshll.u32 s1, $0x11  }
0xbc: {  	s0 =	sor.u32 s1, s0  }
0xbd: {  	s0 =	sadd.s32 $0x8F2B, s0  }
0xbe: {  	[sflag:s0] =	ssyncadd.remote.s32 $0x1  }
0xbf: {  	_ =	sfence.sel $0xFFFF  }
0xc0: {  	[dreg:$0x0] =	wrdreg $0xFFFFFFFF;
	(pc) =	sbr.abs _section_cstart, $3  }
0xc1: {  	[dreg:$0x1] =	wrdreg $0xFFFFFFFF  }
0xc2: {  	_ =	task.clear_ibuf [dreg:s7], $0x2FFFF;
	_ =	strace $0x9FFFFFFF  }
0xc3: {  	(tm) =	ssettm $0x7FFFFFFF  }
tec
execute0_lowered:
.L_overlay_start_1:
0x0: {  	(tag) =	ssettag $0x1  }
0x1: {  	s1 =	rddreg [dreg:$0x0]  }
0x2: {  	s0 =	rddreg [dreg:$0x1]  }
0x3: {  	s3 =	rddreg [dreg:$0x2]  }
0x4: {  	s13 =	simm.s32 $0x0;
	s8 =	stileid.u32;
	s4 =	srdreg.scid  }
0x5: {  	s17 =	simm.s32 $0x3;
	s15 =	simm.s32 $0x800;
	s19 =	simm.s32 $0x1  }
0x6: {  	s20 =	simm.s32 $0x80;
	s21 =	simm.s32 $0x1000;
	s22 =	simm.s32 $0x5000  }
0x7: {  	s24 =	simm.s32 $0x2;
	[smem:$0x7FF] =	sst s13;
	s2 =	smul.u32 $0x500, s8  }
0x8: {  	s5 =	sadd.s32 $0xB800, s0;
	s4 =	sand.u32 $0x1, s4;
	s6 =	smul.u32 $0x50000, s8  }
0x9: {  	s7 =	sadd.s32 $0x33800, s0;
	s9 =	smul.u32 $0x2800, s8;
	s31 =	sshll.u32 s8, $0x6  }
0xa: {  	_ =	strace $0x8000004A;
	[dreg:$0x4] =	wrdreg s7;
	s25 =	ssub.s32 $0x2, s4  }
0xb: {  	[dreg:$0xa] =	wrdreg s31;
	s2 =	sadd.s32 s2, s0;
	s0 =	sadd.s32 $0x5B800, s0  }
0xc: {  	s26 =	sshrl.u32 s25, $0x1;
	s6 =	sshrl.u32 s6, $0x2;
	[dreg:$0x6] =	wrdreg s9  }
0xd: {  	s29 =	sadd.s32 s1, s9;
	s30 =	sadd.s32 s5, s9;
	[dreg:$0x5] =	wrdreg s0  }
.Ltmp0:
0xe: {  	s0 =	ssub.s32 s25, s26;
	[dreg:$0x7] =	wrdreg s29;
	(pc) =	sbr.rel .LBB2_1-.Ltmp0, $4  }
0xf: {  	s28 =	sadd.s32 s6, s3;
	[dreg:$0x8] =	wrdreg s30;
	s0 =	smax.u32 s0, $0x1  }
0x10: {  	p0 =	seq.s32 s4, $0x1;
	s9 =	sshrl.u32 s28, $0x3;
	[dreg:$0x9] =	wrdreg s0  }
0x11: {  	s10 =	sadd.s32 $0x1800, s2;
	s0 =	sor.u32 $0x1C01, s31;
	[dreg:$0xc] =	wrdreg s9  }
0x12: {  	s11 =	sadd.s32 $0x6800, s2;
	[dreg:$0xb] =	wrdreg s0;
	s0 =	simm.s32 $0x0  }
.LBB2_7:
0x13: {  	s6 =	sadd.s32 @!p2 s9, s10;
	[sflag:s17] =	ssyncset.done $0x0  }
0x14: {  	s7 =	simm.s32 @!p2 $0x0;
	s12 =	simm.s32 @!p2 $0x3;
	[sflag:s17] =	ssyncadd.s32 $0xFFFFC000  }
0x15: {  	[tilespmem:s7], [sflag:$0x3] =	stream.linear.gather @!p2 [hbm4b:s6+s7], $0x800, $0x38;
	[tilespmem:$0x1D000] =	vst v63  }
0x16: {  	_ =	swait.ge @!p2 [sflag:s12], $0x800  }
0x17: {  	[sflag:s12] =	ssyncset.done @!p2 $0x0  }
0x18: {  	s6 =	sadd.s32 @!p2 s9, s11;
	s9 =	simm.s32 @!p2 $0x800;
	[sflag:s12] =	ssyncadd.s32 @!p2 $0xFFFFF800  }
0x19: {  	[tilespmem:s9], [sflag:$0x3] =	stream.linear.gather @!p2 [hbm4b:s6+s7], $0x800, $0x38;
	[tilespmem:$0x1D000] =	vst v63  }
0x1a: {  	_ =	swait.ge @!p2 [sflag:s12], $0x800  }
0x1b: {  	[sflag:s12] =	ssyncset.done @!p2 $0x0  }
0x1c: {  	[sflag:s12] =	ssyncadd.s32 @!p2 $0xFFFFF800  }
0x1d: {  	[tilespmem:s21], [sflag:$0x1] =	stream.indirect.gather [hbm4b:s5+s20], $0x80, s13, s20, $0xb8;
	[tilespmem:$0x1D000] =	vst v63  }
0x1e: {  	_ = 	snop  }
0x1f: {  	[tilespmem:s22], [sflag:$0x2] =	stream.indirect.gather [hbm4b:s5+s20], $0x80, s20, s20, $0xb8;
	[tilespmem:$0x1D000] =	vst v63  }
0x20: {  	_ =	swait.ge [sflag:s19], $0x4000  }
0x21: {  	[sflag:s19] =	ssyncset.done $0x0  }
0x22: {  	[sflag:s19] =	ssyncadd.s32 $0xFFFFC000  }
0x23: {  	[spmem:s3] =	stream.indirect.scatter.add.f32 [tilespmem:s21], [sflag:$0x3], $0x80, s15, s20, $0xb8;
	[tilespmem:$0x1D000] =	vst v63  }
0x24: {  	_ =	swait.ge [sflag:s17], $0x4000  }
0x25: {  	[sflag:s17] =	ssyncset.done $0x0  }
0x26: {  	[sflag:s17] =	ssyncadd.s32 $0xFFFFC000  }
0x27: {  	[tilespmem:s21], [sflag:$0x1] =	stream.indirect.gather [hbm4b:s5+s20], $0x80, s14, s20, $0xb8;
	[tilespmem:$0x1D000] =	vst v63  }
0x28: {  	_ =	swait.ge [sflag:s24], $0x4000  }
0x29: {  	[sflag:s24] =	ssyncset.done $0x0  }
0x2a: {  	[sflag:s24] =	ssyncadd.s32 $0xFFFFC000  }
0x2b: {  	[spmem:s3] =	stream.indirect.scatter.add.f32 [tilespmem:s22], [sflag:$0x3], $0x80, s8, s20, $0xb8;
	[tilespmem:$0x1D000] =	vst v63  }
0x2c: {  	_ =	swait.ge [sflag:s17], $0x4000  }
0x2d: {  	[sflag:s17] =	ssyncset.done $0x0  }
0x2e: {  	[sflag:s17] =	ssyncadd.s32 $0xFFFFC000  }
0x2f: {  	[tilespmem:s22], [sflag:$0x2] =	stream.indirect.gather [hbm4b:s5+s20], $0x80, s16, s20, $0xb8;
	[tilespmem:$0x1D000] =	vst v63  }
0x30: {  	_ =	swait.ge [sflag:s19], $0x4000  }
0x31: {  	[sflag:s19] =	ssyncset.done $0x0  }
0x32: {  	[sflag:s19] =	ssyncadd.s32 $0xFFFFC000  }
0x33: {  	[spmem:s3] =	stream.indirect.scatter.add.f32 [tilespmem:s21], [sflag:$0x3], $0x80, s4, s20, $0xb8;
	[tilespmem:$0x1D000] =	vst v63  }
0x34: {  	_ =	swait.ge [sflag:s17], $0x4000  }
0x35: {  	[sflag:s17] =	ssyncset.done $0x0  }
0x36: {  	[sflag:s17] =	ssyncadd.s32 $0xFFFFC000  }
0x37: {  	[tilespmem:s21], [sflag:$0x1] =	stream.indirect.gather [hbm4b:s5+s20], $0x80, s18, s20, $0xb8;
	[tilespmem:$0x1D000] =	vst v63  }
0x38: {  	_ =	swait.ge [sflag:s24], $0x4000  }
0x39: {  	[sflag:s24] =	ssyncset.done $0x0  }
0x3a: {  	[sflag:s24] =	ssyncadd.s32 $0xFFFFC000  }
0x3b: {  	[spmem:s3] =	stream.indirect.scatter.add.f32 [tilespmem:s22], [sflag:$0x3], $0x80, s23, s20, $0xb8;
	[tilespmem:$0x1D000] =	vst v63  }
0x3c: {  	_ =	swait.ge [sflag:s17], $0x4000  }
0x3d: {  	[sflag:s17] =	ssyncset.done $0x0  }
0x3e: {  	[sflag:s17] =	ssyncadd.s32 $0xFFFFC000  }
0x3f: {  	[tilespmem:s22], [sflag:$0x2] =	stream.indirect.gather [hbm4b:s5+s20], $0x80, s25, s20, $0xb8;
	[tilespmem:$0x1D000] =	vst v63  }
0x40: {  	_ =	swait.ge [sflag:s19], $0x4000  }
0x41: {  	[sflag:s19] =	ssyncset.done $0x0  }
0x42: {  	[sflag:s19] =	ssyncadd.s32 $0xFFFFC000  }
0x43: {  	[spmem:s3] =	stream.indirect.scatter.add.f32 [tilespmem:s21], [sflag:$0x3], $0x80, s26, s20, $0xb8;
	[tilespmem:$0x1D000] =	vst v63  }
0x44: {  	_ =	swait.ge [sflag:s17], $0x4000  }
0x45: {  	[sflag:s17] =	ssyncset.done $0x0  }
0x46: {  	[sflag:s17] =	ssyncadd.s32 $0xFFFFC000  }
0x47: {  	[tilespmem:s21], [sflag:$0x1] =	stream.indirect.gather [hbm4b:s5+s20], $0x80, s28, s20, $0xb8;
	[tilespmem:$0x1D000] =	vst v63  }
0x48: {  	_ =	swait.ge [sflag:s24], $0x4000  }
0x49: {  	[sflag:s24] =	ssyncset.done $0x0  }
0x4a: {  	[sflag:s24] =	ssyncadd.s32 $0xFFFFC000  }
0x4b: {  	[spmem:s3] =	stream.indirect.scatter.add.f32 [tilespmem:s22], [sflag:$0x3], $0x80, s29, s20, $0xb8;
	[tilespmem:$0x1D000] =	vst v63  }
0x4c: {  	_ =	swait.ge [sflag:s17], $0x4000  }
0x4d: {  	[sflag:s17] =	ssyncset.done $0x0  }
0x4e: {  	[sflag:s17] =	ssyncadd.s32 $0xFFFFC000  }
0x4f: {  	[tilespmem:s22], [sflag:$0x2] =	stream.indirect.gather [hbm4b:s5+s20], $0x80, s30, s20, $0xb8;
	[tilespmem:$0x1D000] =	vst v63  }
0x50: {  	_ =	swait.ge [sflag:s19], $0x4000  }
0x51: {  	[sflag:s19] =	ssyncset.done $0x0  }
0x52: {  	[sflag:s19] =	ssyncadd.s32 $0xFFFFC000  }
0x53: {  	[spmem:s3] =	stream.indirect.scatter.add.f32 [tilespmem:s21], [sflag:$0x3], $0x80, s31, s20, $0xb8;
	[tilespmem:$0x1D000] =	vst v63  }
0x54: {  	_ =	swait.ge [sflag:s17], $0x4000  }
0x55: {  	[sflag:s17] =	ssyncset.done $0x0  }
0x56: {  	[sflag:s17] =	ssyncadd.s32 $0xFFFFC000  }
0x57: {  	[tilespmem:s21], [sflag:$0x1] =	stream.indirect.gather [hbm4b:s5+s20], $0x80, s0, s20, $0xb8;
	[tilespmem:$0x1D000] =	vst v63  }
0x58: {  	_ =	swait.ge [sflag:s24], $0x4000  }
0x59: {  	[sflag:s24] =	ssyncset.done $0x0  }
0x5a: {  	[sflag:s24] =	ssyncadd.s32 $0xFFFFC000  }
0x5b: {  	[spmem:s3] =	stream.indirect.scatter.add.f32 [tilespmem:s22], [sflag:$0x3], $0x80, s2, s20, $0xb8;
	[tilespmem:$0x1D000] =	vst v63  }
0x5c: {  	_ =	swait.ge [sflag:s17], $0x4000  }
0x5d: {  	[sflag:s17] =	ssyncset.done $0x0  }
0x5e: {  	s6 =	simm.s32 $0x480;
	[sflag:s17] =	ssyncadd.s32 $0xFFFFC000  }
0x5f: {  	[tilespmem:s22], [sflag:$0x2] =	stream.indirect.gather [hbm4b:s5+s20], $0x80, s6, s20, $0xb8;
	[tilespmem:$0x1D000] =	vst v63  }
0x60: {  	_ =	swait.ge [sflag:s19], $0x4000  }
0x61: {  	[sflag:s19] =	ssyncset.done $0x0  }
0x62: {  	s7 =	simm.s32 $0xC00;
	[sflag:s19] =	ssyncadd.s32 $0xFFFFC000  }
0x63: {  	[spmem:s3] =	stream.indirect.scatter.add.f32 [tilespmem:s21], [sflag:$0x3], $0x80, s7, s20, $0xb8;
	[tilespmem:$0x1D000] =	vst v63  }
0x64: {  	_ =	swait.ge [sflag:s17], $0x4000  }
0x65: {  	[sflag:s17] =	ssyncset.done $0x0  }
0x66: {  	s8 =	simm.s32 $0x500;
	[sflag:s17] =	ssyncadd.s32 $0xFFFFC000  }
0x67: {  	[tilespmem:s21], [sflag:$0x1] =	stream.indirect.gather [hbm4b:s5+s20], $0x80, s8, s20, $0xb8;
	[tilespmem:$0x1D000] =	vst v63  }
0x68: {  	_ =	swait.ge [sflag:s24], $0x4000  }
0x69: {  	[sflag:s24] =	ssyncset.done $0x0  }
0x6a: {  	s9 =	simm.s32 $0xC80;
	[sflag:s24] =	ssyncadd.s32 $0xFFFFC000  }
0x6b: {  	[spmem:s3] =	stream.indirect.scatter.add.f32 [tilespmem:s22], [sflag:$0x3], $0x80, s9, s20, $0xb8;
	[tilespmem:$0x1D000] =	vst v63  }
0x6c: {  	_ =	swait.ge [sflag:s17], $0x4000  }
0x6d: {  	[sflag:s17] =	ssyncset.done $0x0  }
0x6e: {  	s12 =	simm.s32 $0x580;
	[sflag:s17] =	ssyncadd.s32 $0xFFFFC000  }
0x6f: {  	[tilespmem:s22], [sflag:$0x2] =	stream.indirect.gather [hbm4b:s5+s20], $0x80, s12, s20, $0xb8;
	[tilespmem:$0x1D000] =	vst v63  }
0x70: {  	_ =	swait.ge [sflag:s19], $0x4000  }
0x71: {  	[sflag:s19] =	ssyncset.done $0x0  }
0x72: {  	s14 =	simm.s32 $0xD00;
	[sflag:s19] =	ssyncadd.s32 $0xFFFFC000  }
0x73: {  	[spmem:s3] =	stream.indirect.scatter.add.f32 [tilespmem:s21], [sflag:$0x3], $0x80, s14, s20, $0xb8;
	[tilespmem:$0x1D000] =	vst v63  }
0x74: {  	_ =	swait.ge [sflag:s17], $0x4000  }
0x75: {  	[sflag:s17] =	ssyncset.done $0x0  }
0x76: {  	s16 =	simm.s32 $0x600;
	[sflag:s17] =	ssyncadd.s32 $0xFFFFC000  }
0x77: {  	[tilespmem:s21], [sflag:$0x1] =	stream.indirect.gather [hbm4b:s5+s20], $0x80, s16, s20, $0xb8;
	[tilespmem:$0x1D000] =	vst v63  }
0x78: {  	_ =	swait.ge [sflag:s24], $0x4000  }
0x79: {  	[sflag:s24] =	ssyncset.done $0x0  }
0x7a: {  	s18 =	simm.s32 $0xD80;
	[sflag:s24] =	ssyncadd.s32 $0xFFFFC000  }
0x7b: {  	[spmem:s3] =	stream.indirect.scatter.add.f32 [tilespmem:s22], [sflag:$0x3], $0x80, s18, s20, $0xb8;
	[tilespmem:$0x1D000] =	vst v63  }
0x7c: {  	_ =	swait.ge [sflag:s17], $0x4000  }
0x7d: {  	[sflag:s17] =	ssyncset.done $0x0  }
0x7e: {  	s23 =	simm.s32 $0x680;
	[sflag:s17] =	ssyncadd.s32 $0xFFFFC000  }
0x7f: {  	[tilespmem:s22], [sflag:$0x2] =	stream.indirect.gather [hbm4b:s5+s20], $0x80, s23, s20, $0xb8;
	[tilespmem:$0x1D000] =	vst v63  }
0x80: {  	_ =	swait.ge [sflag:s19], $0x4000  }
0x81: {  	[sflag:s19] =	ssyncset.done $0x0  }
0x82: {  	s25 =	simm.s32 $0xE00;
	[sflag:s19] =	ssyncadd.s32 $0xFFFFC000  }
0x83: {  	[spmem:s3] =	stream.indirect.scatter.add.f32 [tilespmem:s21], [sflag:$0x3], $0x80, s25, s20, $0xb8;
	[tilespmem:$0x1D000] =	vst v63  }
0x84: {  	_ =	swait.ge [sflag:s17], $0x4000  }
0x85: {  	[sflag:s17] =	ssyncset.done $0x0  }
0x86: {  	s26 =	simm.s32 $0x700;
	[sflag:s17] =	ssyncadd.s32 $0xFFFFC000  }
0x87: {  	[tilespmem:s21], [sflag:$0x1] =	stream.indirect.gather [hbm4b:s5+s20], $0x80, s26, s20, $0xb8;
	[tilespmem:$0x1D000] =	vst v63  }
0x88: {  	_ =	swait.ge [sflag:s24], $0x4000  }
0x89: {  	[sflag:s24] =	ssyncset.done $0x0  }
0x8a: {  	s28 =	simm.s32 $0xE80;
	[sflag:s24] =	ssyncadd.s32 $0xFFFFC000  }
0x8b: {  	[spmem:s3] =	stream.indirect.scatter.add.f32 [tilespmem:s22], [sflag:$0x3], $0x80, s28, s20, $0xb8;
	[tilespmem:$0x1D000] =	vst v63  }
0x8c: {  	_ =	swait.ge [sflag:s17], $0x4000  }
0x8d: {  	[sflag:s17] =	ssyncset.done $0x0  }
0x8e: {  	s29 =	simm.s32 $0x780;
	[sflag:s17] =	ssyncadd.s32 $0xFFFFC000  }
0x8f: {  	[tilespmem:s22], [sflag:$0x2] =	stream.indirect.gather [hbm4b:s5+s20], $0x80, s29, s20, $0xb8;
	[tilespmem:$0x1D000] =	vst v63  }
0x90: {  	_ =	swait.ge [sflag:s19], $0x4000  }
0x91: {  	[sflag:s19] =	ssyncset.done $0x0  }
0x92: {  	s30 =	simm.s32 $0xF00;
	[sflag:s19] =	ssyncadd.s32 $0xFFFFC000  }
0x93: {  	[spmem:s3] =	stream.indirect.scatter.add.f32 [tilespmem:s21], [sflag:$0x3], $0x80, s30, s20, $0xb8;
	[tilespmem:$0x1D000] =	vst v63  }
0x94: {  	_ =	swait.ge [sflag:s17], $0x4000  }
0x95: {  	[sflag:s17] =	ssyncset.done $0x0  }
0x96: {  	[sflag:s17] =	ssyncadd.s32 $0xFFFFC000  }
0x97: {  	_ =	swait.ge [sflag:s24], $0x4000  }
0x98: {  	[sflag:s24] =	ssyncset.done $0x0  }
0x99: {  	s31 =	simm.s32 $0xF80;
	[sflag:s24] =	ssyncadd.s32 $0xFFFFC000  }
0x9a: {  	[spmem:s3] =	stream.indirect.scatter.add.f32 [tilespmem:s22], [sflag:$0x3], $0x80, s31, s20, $0xb8;
	[tilespmem:$0x1D000] =	vst v63  }
0x9b: {  	_ =	swait.ge [sflag:s17], $0x4000  }
0x9c: {  	[sflag:s17] =	ssyncset.done $0x0;
	s9 =	rddreg [dreg:$0x5]  }
0x9d: {  	s0 =	rddreg [dreg:$0xd];
	[sflag:s17] =	ssyncadd.s32 $0xFFFFC000  }
.LBB2_8:
0x9e: {  	s6 =	rddreg [dreg:$0x6];
	[bflag:$0x0] =	sbarrier.arrive $0xFFFF  }
0x9f: {  	s7 =	rddreg [dreg:$0xa]  }
0xa0: {  	s6 =	sadd.s32 s9, s6;
	s9 =	rddreg [dreg:$0xc];
	s7 =	sor.u32 $0x1C03, s7  }
0xa1: {  	[hbm:s6], [sflag:s7] =	dma.local [spmem:s9], $0x2800  }
0xa2: {  	_ =	swait.ge [sflag:s17], $0x2800  }
0xa3: {  	s0 =	sadd.s32 $0x1, s0;
	s31 =	rddreg [dreg:$0x9]  }
0xa4: {  	p1 =	sne.s32 s0, s31  }
.Ltmp1:
0xa5: {  	_ = 	snop;
	(pc) =	sbr.rel @!p1 .LBB2_9-.Ltmp1, $3  }
0xa6: {  	_ =	sdelay $0x1  }
0xa7: {  	[sflag:s17] =	ssyncset.done $0x0  }
0xa8: {  	[sflag:s17] =	ssyncadd.s32 $0xFFFFD800  }
.LBB2_1:
.Ltmp2:
0xa9: {  	(pc) =	sbr.rel @!p0 .LBB2_2-.Ltmp2, $2  }
0xaa: {  	_ =	sdelay $0x2  }
0xab: {  	[dreg:$0xd] =	wrdreg s0  }
0xac: {  	s6 =	rddreg [dreg:$0x8]  }
0xad: {  	s7 =	rddreg [dreg:$0xb];
	s4 =	simm.s32 $0x0  }
0xae: {  	[spmem:s9], [sflag:s7] =	dma.local [hbm:s6], $0x2800  }
0xaf: {  	[tilespmem:s4], [sflag:$0x3] =	stream.linear.gather [hbm4b:s10+s4], $0x800, $0x38;
	[tilespmem:$0x1D000] =	vst v63  }
0xb0: {  	_ =	swait.ge [sflag:s17], $0x800  }
0xb1: {  	[sflag:s17] =	ssyncset.done $0x0  }
0xb2: {  	[sflag:s17] =	ssyncadd.s32 $0xFFFFF800  }
0xb3: {  	[tilespmem:s15], [sflag:$0x3] =	stream.linear.gather [hbm4b:s11+s4], $0x800, $0x38;
	[tilespmem:$0x1D000] =	vst v63  }
0xb4: {  	_ =	swait.ge [sflag:s17], $0x800  }
0xb5: {  	[sflag:s17] =	ssyncset.done $0x0  }
0xb6: {  	[sflag:s17] =	ssyncadd.s32 $0xFFFFF800  }
0xb7: {  	_ =	swait.ge [sflag:s19], $0x2800  }
0xb8: {  	p1 =	por $0x1, $0x1;
	[sflag:s19] =	ssyncset.done $0x0  }
0xb9: {  	s6 =	sadd.s32 @!p1 $0x0, s10;
	[sflag:s19] =	ssyncadd.s32 $0xFFFFD800  }
0xba: {  	s7 =	simm.s32 @!p1 $0x0;
	s9 =	simm.s32 @!p1 $0x3;
	[bflag:$0x0] =	sbarrier.arrive $0xFFFF  }
0xbb: {  	[tilespmem:s7], [sflag:$0x3] =	stream.linear.gather @!p1 [hbm4b:s6+s7], $0x800, $0x38;
	[tilespmem:$0x1D000] =	vst v63  }
0xbc: {  	_ =	swait.ge @!p1 [sflag:s9], $0x800  }
0xbd: {  	[sflag:s9] =	ssyncset.done @!p1 $0x0  }
0xbe: {  	s12 =	simm.s32 @!p1 $0x800;
	s6 =	sadd.s32 @!p1 $0x0, s11;
	[sflag:s9] =	ssyncadd.s32 @!p1 $0xFFFFF800  }
0xbf: {  	[tilespmem:s12], [sflag:$0x3] =	stream.linear.gather @!p1 [hbm4b:s6+s7], $0x800, $0x38;
	[tilespmem:$0x1D000] =	vst v63  }
0xc0: {  	_ =	swait.ge @!p1 [sflag:s9], $0x800  }
0xc1: {  	[sflag:s9] =	ssyncset.done @!p1 $0x0  }
0xc2: {  	[sflag:s9] =	ssyncadd.s32 @!p1 $0xFFFFF800  }
0xc3: {  	[tilespmem:s21], [sflag:$0x1] =	stream.indirect.gather [hbm4b:s5+s20], $0x80, s13, s20, $0xb8;
	[tilespmem:$0x1D000] =	vst v63  }
0xc4: {  	_ = 	snop  }
0xc5: {  	[tilespmem:s22], [sflag:$0x2] =	stream.indirect.gather [hbm4b:s5+s20], $0x80, s20, s20, $0xb8;
	[tilespmem:$0x1D000] =	vst v63  }
0xc6: {  	_ =	swait.ge [sflag:s19], $0x4000  }
0xc7: {  	[sflag:s19] =	ssyncset.done $0x0  }
0xc8: {  	[sflag:s19] =	ssyncadd.s32 $0xFFFFC000  }
0xc9: {  	[spmem:s3] =	stream.indirect.scatter.add.f32 [tilespmem:s21], [sflag:$0x3], $0x80, s15, s20, $0xb8;
	[tilespmem:$0x1D000] =	vst v63  }
0xca: {  	_ =	swait.ge [sflag:s17], $0x4000  }
0xcb: {  	[sflag:s17] =	ssyncset.done $0x0  }
0xcc: {  	s14 =	simm.s32 $0x100;
	[sflag:s17] =	ssyncadd.s32 $0xFFFFC000  }
0xcd: {  	[tilespmem:s21], [sflag:$0x1] =	stream.indirect.gather [hbm4b:s5+s20], $0x80, s14, s20, $0xb8;
	[tilespmem:$0x1D000] =	vst v63  }
0xce: {  	_ =	swait.ge [sflag:s24], $0x4000  }
0xcf: {  	[sflag:s24] =	ssyncset.done $0x0  }
0xd0: {  	s8 =	simm.s32 $0x880;
	[sflag:s24] =	ssyncadd.s32 $0xFFFFC000  }
0xd1: {  	[spmem:s3] =	stream.indirect.scatter.add.f32 [tilespmem:s22], [sflag:$0x3], $0x80, s8, s20, $0xb8;
	[tilespmem:$0x1D000] =	vst v63  }
0xd2: {  	_ =	swait.ge [sflag:s17], $0x4000  }
0xd3: {  	[sflag:s17] =	ssyncset.done $0x0  }
0xd4: {  	s16 =	simm.s32 $0x180;
	[sflag:s17] =	ssyncadd.s32 $0xFFFFC000  }
0xd5: {  	[tilespmem:s22], [sflag:$0x2] =	stream.indirect.gather [hbm4b:s5+s20], $0x80, s16, s20, $0xb8;
	[tilespmem:$0x1D000] =	vst v63  }
0xd6: {  	_ =	swait.ge [sflag:s19], $0x4000  }
0xd7: {  	[sflag:s19] =	ssyncset.done $0x0  }
0xd8: {  	s4 =	simm.s32 $0x900;
	[sflag:s19] =	ssyncadd.s32 $0xFFFFC000  }
0xd9: {  	[spmem:s3] =	stream.indirect.scatter.add.f32 [tilespmem:s21], [sflag:$0x3], $0x80, s4, s20, $0xb8;
	[tilespmem:$0x1D000] =	vst v63  }
0xda: {  	_ =	swait.ge [sflag:s17], $0x4000  }
0xdb: {  	[sflag:s17] =	ssyncset.done $0x0  }
0xdc: {  	s18 =	simm.s32 $0x200;
	[sflag:s17] =	ssyncadd.s32 $0xFFFFC000  }
0xdd: {  	[tilespmem:s21], [sflag:$0x1] =	stream.indirect.gather [hbm4b:s5+s20], $0x80, s18, s20, $0xb8;
	[tilespmem:$0x1D000] =	vst v63  }
0xde: {  	_ =	swait.ge [sflag:s24], $0x4000  }
0xdf: {  	[sflag:s24] =	ssyncset.done $0x0  }
0xe0: {  	s23 =	simm.s32 $0x980;
	[sflag:s24] =	ssyncadd.s32 $0xFFFFC000  }
0xe1: {  	[spmem:s3] =	stream.indirect.scatter.add.f32 [tilespmem:s22], [sflag:$0x3], $0x80, s23, s20, $0xb8;
	[tilespmem:$0x1D000] =	vst v63  }
0xe2: {  	_ =	swait.ge [sflag:s17], $0x4000  }
0xe3: {  	[sflag:s17] =	ssyncset.done $0x0  }
0xe4: {  	s25 =	simm.s32 $0x280;
	[sflag:s17] =	ssyncadd.s32 $0xFFFFC000  }
0xe5: {  	[tilespmem:s22], [sflag:$0x2] =	stream.indirect.gather [hbm4b:s5+s20], $0x80, s25, s20, $0xb8;
	[tilespmem:$0x1D000] =	vst v63  }
0xe6: {  	_ =	swait.ge [sflag:s19], $0x4000  }
0xe7: {  	[sflag:s19] =	ssyncset.done $0x0  }
0xe8: {  	s26 =	simm.s32 $0xA00;
	[sflag:s19] =	ssyncadd.s32 $0xFFFFC000  }
0xe9: {  	[spmem:s3] =	stream.indirect.scatter.add.f32 [tilespmem:s21], [sflag:$0x3], $0x80, s26, s20, $0xb8;
	[tilespmem:$0x1D000] =	vst v63  }
0xea: {  	_ =	swait.ge [sflag:s17], $0x4000  }
0xeb: {  	[sflag:s17] =	ssyncset.done $0x0  }
0xec: {  	s28 =	simm.s32 $0x300;
	[sflag:s17] =	ssyncadd.s32 $0xFFFFC000  }
0xed: {  	[tilespmem:s21], [sflag:$0x1] =	stream.indirect.gather [hbm4b:s5+s20], $0x80, s28, s20, $0xb8;
	[tilespmem:$0x1D000] =	vst v63  }
0xee: {  	_ =	swait.ge [sflag:s24], $0x4000  }
0xef: {  	[sflag:s24] =	ssyncset.done $0x0  }
0xf0: {  	s29 =	simm.s32 $0xA80;
	[sflag:s24] =	ssyncadd.s32 $0xFFFFC000  }
0xf1: {  	[spmem:s3] =	stream.indirect.scatter.add.f32 [tilespmem:s22], [sflag:$0x3], $0x80, s29, s20, $0xb8;
	[tilespmem:$0x1D000] =	vst v63  }
0xf2: {  	_ =	swait.ge [sflag:s17], $0x4000  }
0xf3: {  	[sflag:s17] =	ssyncset.done $0x0  }
0xf4: {  	s30 =	simm.s32 $0x380;
	[sflag:s17] =	ssyncadd.s32 $0xFFFFC000  }
0xf5: {  	[tilespmem:s22], [sflag:$0x2] =	stream.indirect.gather [hbm4b:s5+s20], $0x80, s30, s20, $0xb8;
	[tilespmem:$0x1D000] =	vst v63  }
0xf6: {  	_ =	swait.ge [sflag:s19], $0x4000  }
0xf7: {  	[sflag:s19] =	ssyncset.done $0x0  }
0xf8: {  	s31 =	simm.s32 $0xB00;
	[sflag:s19] =	ssyncadd.s32 $0xFFFFC000  }
0xf9: {  	[spmem:s3] =	stream.indirect.scatter.add.f32 [tilespmem:s21], [sflag:$0x3], $0x80, s31, s20, $0xb8;
	[tilespmem:$0x1D000] =	vst v63  }
0xfa: {  	_ =	swait.ge [sflag:s17], $0x4000  }
0xfb: {  	[sflag:s17] =	ssyncset.done $0x0  }
0xfc: {  	s0 =	simm.s32 $0x400;
	[sflag:s17] =	ssyncadd.s32 $0xFFFFC000  }
0xfd: {  	[tilespmem:s21], [sflag:$0x1] =	stream.indirect.gather [hbm4b:s5+s20], $0x80, s0, s20, $0xb8;
	[tilespmem:$0x1D000] =	vst v63  }
0xfe: {  	_ =	swait.ge [sflag:s24], $0x4000  }
0xff: {  	[sflag:s24] =	ssyncset.done $0x0  }
0x100: {  	s2 =	simm.s32 $0xB80;
	[sflag:s24] =	ssyncadd.s32 $0xFFFFC000  }
0x101: {  	[spmem:s3] =	stream.indirect.scatter.add.f32 [tilespmem:s22], [sflag:$0x3], $0x80, s2, s20, $0xb8;
	[tilespmem:$0x1D000] =	vst v63  }
0x102: {  	_ =	swait.ge [sflag:s17], $0x4000  }
0x103: {  	[sflag:s17] =	ssyncset.done $0x0  }
0x104: {  	s7 =	simm.s32 $0x480;
	[sflag:s17] =	ssyncadd.s32 $0xFFFFC000  }
0x105: {  	[tilespmem:s22], [sflag:$0x2] =	stream.indirect.gather [hbm4b:s5+s20], $0x80, s7, s20, $0xb8;
	[tilespmem:$0x1D000] =	vst v63  }
0x106: {  	_ =	swait.ge [sflag:s19], $0x4000  }
0x107: {  	[sflag:s19] =	ssyncset.done $0x0  }
0x108: {  	s9 =	simm.s32 $0xC00;
	[sflag:s19] =	ssyncadd.s32 $0xFFFFC000  }
0x109: {  	[spmem:s3] =	stream.indirect.scatter.add.f32 [tilespmem:s21], [sflag:$0x3], $0x80, s9, s20, $0xb8;
	[tilespmem:$0x1D000] =	vst v63  }
0x10a: {  	_ =	swait.ge [sflag:s17], $0x4000  }
0x10b: {  	[sflag:s17] =	ssyncset.done $0x0  }
0x10c: {  	s12 =	simm.s32 $0x500;
	[sflag:s17] =	ssyncadd.s32 $0xFFFFC000  }
0x10d: {  	[tilespmem:s21], [sflag:$0x1] =	stream.indirect.gather [hbm4b:s5+s20], $0x80, s12, s20, $0xb8;
	[tilespmem:$0x1D000] =	vst v63  }
0x10e: {  	_ =	swait.ge [sflag:s24], $0x4000  }
0x10f: {  	[sflag:s24] =	ssyncset.done $0x0  }
0x110: {  	s13 =	simm.s32 $0xC80;
	[sflag:s24] =	ssyncadd.s32 $0xFFFFC000  }
0x111: {  	[spmem:s3] =	stream.indirect.scatter.add.f32 [tilespmem:s22], [sflag:$0x3], $0x80, s13, s20, $0xb8;
	[tilespmem:$0x1D000] =	vst v63  }
0x112: {  	_ =	swait.ge [sflag:s17], $0x4000  }
0x113: {  	[sflag:s17] =	ssyncset.done $0x0  }
0x114: {  	s15 =	simm.s32 $0x580;
	[sflag:s17] =	ssyncadd.s32 $0xFFFFC000  }
0x115: {  	[tilespmem:s22], [sflag:$0x2] =	stream.indirect.gather [hbm4b:s5+s20], $0x80, s15, s20, $0xb8;
	[tilespmem:$0x1D000] =	vst v63  }
0x116: {  	_ =	swait.ge [sflag:s19], $0x4000  }
0x117: {  	[sflag:s19] =	ssyncset.done $0x0  }
0x118: {  	s7 =	simm.s32 $0xD00;
	[sflag:s19] =	ssyncadd.s32 $0xFFFFC000  }
0x119: {  	[spmem:s3] =	stream.indirect.scatter.add.f32 [tilespmem:s21], [sflag:$0x3], $0x80, s7, s20, $0xb8;
	[tilespmem:$0x1D000] =	vst v63  }
0x11a: {  	_ =	swait.ge [sflag:s17], $0x4000  }
0x11b: {  	[sflag:s17] =	ssyncset.done $0x0  }
0x11c: {  	s9 =	simm.s32 $0x600;
	[sflag:s17] =	ssyncadd.s32 $0xFFFFC000  }
0x11d: {  	[tilespmem:s21], [sflag:$0x1] =	stream.indirect.gather [hbm4b:s5+s20], $0x80, s9, s20, $0xb8;
	[tilespmem:$0x1D000] =	vst v63  }
0x11e: {  	_ =	swait.ge [sflag:s24], $0x4000  }
0x11f: {  	[sflag:s24] =	ssyncset.done $0x0  }
0x120: {  	s12 =	simm.s32 $0xD80;
	[sflag:s24] =	ssyncadd.s32 $0xFFFFC000  }
0x121: {  	[spmem:s3] =	stream.indirect.scatter.add.f32 [tilespmem:s22], [sflag:$0x3], $0x80, s12, s20, $0xb8;
	[tilespmem:$0x1D000] =	vst v63  }
0x122: {  	_ =	swait.ge [sflag:s17], $0x4000  }
0x123: {  	[sflag:s17] =	ssyncset.done $0x0  }
0x124: {  	s13 =	simm.s32 $0x680;
	[sflag:s17] =	ssyncadd.s32 $0xFFFFC000  }
0x125: {  	[tilespmem:s22], [sflag:$0x2] =	stream.indirect.gather [hbm4b:s5+s20], $0x80, s13, s20, $0xb8;
	[tilespmem:$0x1D000] =	vst v63  }
0x126: {  	_ =	swait.ge [sflag:s19], $0x4000  }
0x127: {  	[sflag:s19] =	ssyncset.done $0x0  }
0x128: {  	s15 =	simm.s32 $0xE00;
	[sflag:s19] =	ssyncadd.s32 $0xFFFFC000  }
0x129: {  	[spmem:s3] =	stream.indirect.scatter.add.f32 [tilespmem:s21], [sflag:$0x3], $0x80, s15, s20, $0xb8;
	[tilespmem:$0x1D000] =	vst v63  }
0x12a: {  	_ =	swait.ge [sflag:s17], $0x4000  }
0x12b: {  	[sflag:s17] =	ssyncset.done $0x0  }
0x12c: {  	s7 =	simm.s32 $0x700;
	[sflag:s17] =	ssyncadd.s32 $0xFFFFC000  }
0x12d: {  	[tilespmem:s21], [sflag:$0x1] =	stream.indirect.gather [hbm4b:s5+s20], $0x80, s7, s20, $0xb8;
	[tilespmem:$0x1D000] =	vst v63  }
0x12e: {  	_ =	swait.ge [sflag:s24], $0x4000  }
0x12f: {  	[sflag:s24] =	ssyncset.done $0x0  }
0x130: {  	s9 =	simm.s32 $0xE80;
	[sflag:s24] =	ssyncadd.s32 $0xFFFFC000  }
0x131: {  	[spmem:s3] =	stream.indirect.scatter.add.f32 [tilespmem:s22], [sflag:$0x3], $0x80, s9, s20, $0xb8;
	[tilespmem:$0x1D000] =	vst v63  }
0x132: {  	_ =	swait.ge [sflag:s17], $0x4000  }
0x133: {  	[sflag:s17] =	ssyncset.done $0x0  }
0x134: {  	s12 =	simm.s32 $0x780;
	[sflag:s17] =	ssyncadd.s32 $0xFFFFC000  }
0x135: {  	[tilespmem:s22], [sflag:$0x2] =	stream.indirect.gather [hbm4b:s5+s20], $0x80, s12, s20, $0xb8;
	[tilespmem:$0x1D000] =	vst v63  }
0x136: {  	_ =	swait.ge [sflag:s19], $0x4000  }
0x137: {  	[sflag:s19] =	ssyncset.done $0x0  }
0x138: {  	s13 =	simm.s32 $0xF00;
	[sflag:s19] =	ssyncadd.s32 $0xFFFFC000  }
0x139: {  	[spmem:s3] =	stream.indirect.scatter.add.f32 [tilespmem:s21], [sflag:$0x3], $0x80, s13, s20, $0xb8;
	[tilespmem:$0x1D000] =	vst v63  }
0x13a: {  	_ =	swait.ge [sflag:s17], $0x4000  }
0x13b: {  	[sflag:s17] =	ssyncset.done $0x0  }
0x13c: {  	[sflag:s17] =	ssyncadd.s32 $0xFFFFC000  }
0x13d: {  	_ =	swait.ge [sflag:s24], $0x4000  }
0x13e: {  	[sflag:s24] =	ssyncset.done $0x0  }
0x13f: {  	p2 =	por $0x0, $0x0;
	s15 =	simm.s32 $0xF80;
	[sflag:s24] =	ssyncadd.s32 $0xFFFFC000  }
0x140: {  	[spmem:s3] =	stream.indirect.scatter.add.f32 [tilespmem:s22], [sflag:$0x3], $0x80, s15, s20, $0xb8;
	[tilespmem:$0x1D000] =	vst v63  }
0x141: {  	s9 =	simm.s32 $0x100;
	s12 =	simm.s32 $0x200;
	_ =	swait.ge [sflag:s17], $0x4000  }
.LBB2_6:
0x142: {  	s6 =	sadd.s32 @!p2 s9, s10  }
0x143: {  	s7 =	simm.s32 @!p2 $0x0;
	[sflag:s17] =	ssyncset.done $0x0;
	s13 =	smov.u32 s12  }
0x144: {  	s12 =	sadd.s32 $0x100, s12;
	s15 =	simm.s32 @!p2 $0x3;
	[sflag:s17] =	ssyncadd.s32 $0xFFFFC000  }
0x145: {  	[tilespmem:s7], [sflag:$0x3] =	stream.linear.gather @!p2 [hbm4b:s6+s7], $0x800, $0x38;
	[tilespmem:$0x1D000] =	vst v63  }
0x146: {  	p1 =	sne.s32 s12, $0x500;
	_ =	swait.ge @!p2 [sflag:s15], $0x800  }
0x147: {  	[sflag:s15] =	ssyncset.done @!p2 $0x0  }
0x148: {  	s6 =	sadd.s32 @!p2 s9, s11;
	s9 =	simm.s32 @!p2 $0x800;
	[sflag:s15] =	ssyncadd.s32 @!p2 $0xFFFFF800  }
0x149: {  	[tilespmem:s9], [sflag:$0x3] =	stream.linear.gather @!p2 [hbm4b:s6+s7], $0x800, $0x38;
	[tilespmem:$0x1D000] =	vst v63  }
0x14a: {  	s9 =	smov.u32 s13;
	s13 =	simm.s32 $0x0;
	_ =	swait.ge @!p2 [sflag:s15], $0x800  }
0x14b: {  	[sflag:s15] =	ssyncset.done @!p2 $0x0  }
0x14c: {  	[sflag:s15] =	ssyncadd.s32 @!p2 $0xFFFFF800;
	s15 =	simm.s32 $0x800  }
0x14d: {  	[tilespmem:s21], [sflag:$0x1] =	stream.indirect.gather [hbm4b:s5+s20], $0x80, s13, s20, $0xb8;
	[tilespmem:$0x1D000] =	vst v63  }
0x14e: {  	_ = 	snop  }
0x14f: {  	[tilespmem:s22], [sflag:$0x2] =	stream.indirect.gather [hbm4b:s5+s20], $0x80, s20, s20, $0xb8;
	[tilespmem:$0x1D000] =	vst v63  }
0x150: {  	_ =	swait.ge [sflag:s19], $0x4000  }
0x151: {  	[sflag:s19] =	ssyncset.done $0x0  }
0x152: {  	[sflag:s19] =	ssyncadd.s32 $0xFFFFC000  }
0x153: {  	[spmem:s3] =	stream.indirect.scatter.add.f32 [tilespmem:s21], [sflag:$0x3], $0x80, s15, s20, $0xb8;
	[tilespmem:$0x1D000] =	vst v63  }
0x154: {  	_ =	swait.ge [sflag:s17], $0x4000  }
0x155: {  	[sflag:s17] =	ssyncset.done $0x0  }
0x156: {  	[sflag:s17] =	ssyncadd.s32 $0xFFFFC000  }
0x157: {  	[tilespmem:s21], [sflag:$0x1] =	stream.indirect.gather [hbm4b:s5+s20], $0x80, s14, s20, $0xb8;
	[tilespmem:$0x1D000] =	vst v63  }
0x158: {  	_ =	swait.ge [sflag:s24], $0x4000  }
0x159: {  	[sflag:s24] =	ssyncset.done $0x0  }
0x15a: {  	[sflag:s24] =	ssyncadd.s32 $0xFFFFC000  }
0x15b: {  	[spmem:s3] =	stream.indirect.scatter.add.f32 [tilespmem:s22], [sflag:$0x3], $0x80, s8, s20, $0xb8;
	[tilespmem:$0x1D000] =	vst v63  }
0x15c: {  	_ =	swait.ge [sflag:s17], $0x4000  }
0x15d: {  	[sflag:s17] =	ssyncset.done $0x0  }
0x15e: {  	[sflag:s17] =	ssyncadd.s32 $0xFFFFC000  }
0x15f: {  	[tilespmem:s22], [sflag:$0x2] =	stream.indirect.gather [hbm4b:s5+s20], $0x80, s16, s20, $0xb8;
	[tilespmem:$0x1D000] =	vst v63  }
0x160: {  	_ =	swait.ge [sflag:s19], $0x4000  }
0x161: {  	[sflag:s19] =	ssyncset.done $0x0  }
0x162: {  	[sflag:s19] =	ssyncadd.s32 $0xFFFFC000  }
0x163: {  	[spmem:s3] =	stream.indirect.scatter.add.f32 [tilespmem:s21], [sflag:$0x3], $0x80, s4, s20, $0xb8;
	[tilespmem:$0x1D000] =	vst v63  }
0x164: {  	_ =	swait.ge [sflag:s17], $0x4000  }
0x165: {  	[sflag:s17] =	ssyncset.done $0x0  }
0x166: {  	[sflag:s17] =	ssyncadd.s32 $0xFFFFC000  }
0x167: {  	[tilespmem:s21], [sflag:$0x1] =	stream.indirect.gather [hbm4b:s5+s20], $0x80, s18, s20, $0xb8;
	[tilespmem:$0x1D000] =	vst v63  }
0x168: {  	_ =	swait.ge [sflag:s24], $0x4000  }
0x169: {  	[sflag:s24] =	ssyncset.done $0x0  }
0x16a: {  	[sflag:s24] =	ssyncadd.s32 $0xFFFFC000  }
0x16b: {  	[spmem:s3] =	stream.indirect.scatter.add.f32 [tilespmem:s22], [sflag:$0x3], $0x80, s23, s20, $0xb8;
	[tilespmem:$0x1D000] =	vst v63  }
0x16c: {  	_ =	swait.ge [sflag:s17], $0x4000  }
0x16d: {  	[sflag:s17] =	ssyncset.done $0x0  }
0x16e: {  	[sflag:s17] =	ssyncadd.s32 $0xFFFFC000  }
0x16f: {  	[tilespmem:s22], [sflag:$0x2] =	stream.indirect.gather [hbm4b:s5+s20], $0x80, s25, s20, $0xb8;
	[tilespmem:$0x1D000] =	vst v63  }
0x170: {  	_ =	swait.ge [sflag:s19], $0x4000  }
0x171: {  	[sflag:s19] =	ssyncset.done $0x0  }
0x172: {  	[sflag:s19] =	ssyncadd.s32 $0xFFFFC000  }
0x173: {  	[spmem:s3] =	stream.indirect.scatter.add.f32 [tilespmem:s21], [sflag:$0x3], $0x80, s26, s20, $0xb8;
	[tilespmem:$0x1D000] =	vst v63  }
0x174: {  	_ =	swait.ge [sflag:s17], $0x4000  }
0x175: {  	[sflag:s17] =	ssyncset.done $0x0  }
0x176: {  	[sflag:s17] =	ssyncadd.s32 $0xFFFFC000  }
0x177: {  	[tilespmem:s21], [sflag:$0x1] =	stream.indirect.gather [hbm4b:s5+s20], $0x80, s28, s20, $0xb8;
	[tilespmem:$0x1D000] =	vst v63  }
0x178: {  	_ =	swait.ge [sflag:s24], $0x4000  }
0x179: {  	[sflag:s24] =	ssyncset.done $0x0  }
0x17a: {  	[sflag:s24] =	ssyncadd.s32 $0xFFFFC000  }
0x17b: {  	[spmem:s3] =	stream.indirect.scatter.add.f32 [tilespmem:s22], [sflag:$0x3], $0x80, s29, s20, $0xb8;
	[tilespmem:$0x1D000] =	vst v63  }
0x17c: {  	_ =	swait.ge [sflag:s17], $0x4000  }
0x17d: {  	[sflag:s17] =	ssyncset.done $0x0  }
0x17e: {  	[sflag:s17] =	ssyncadd.s32 $0xFFFFC000  }
0x17f: {  	[tilespmem:s22], [sflag:$0x2] =	stream.indirect.gather [hbm4b:s5+s20], $0x80, s30, s20, $0xb8;
	[tilespmem:$0x1D000] =	vst v63  }
0x180: {  	_ =	swait.ge [sflag:s19], $0x4000  }
0x181: {  	[sflag:s19] =	ssyncset.done $0x0  }
0x182: {  	[sflag:s19] =	ssyncadd.s32 $0xFFFFC000  }
0x183: {  	[spmem:s3] =	stream.indirect.scatter.add.f32 [tilespmem:s21], [sflag:$0x3], $0x80, s31, s20, $0xb8;
	[tilespmem:$0x1D000] =	vst v63  }
0x184: {  	_ =	swait.ge [sflag:s17], $0x4000  }
0x185: {  	[sflag:s17] =	ssyncset.done $0x0  }
0x186: {  	[sflag:s17] =	ssyncadd.s32 $0xFFFFC000  }
0x187: {  	[tilespmem:s21], [sflag:$0x1] =	stream.indirect.gather [hbm4b:s5+s20], $0x80, s0, s20, $0xb8;
	[tilespmem:$0x1D000] =	vst v63  }
0x188: {  	_ =	swait.ge [sflag:s24], $0x4000  }
0x189: {  	[sflag:s24] =	ssyncset.done $0x0  }
0x18a: {  	[sflag:s24] =	ssyncadd.s32 $0xFFFFC000  }
0x18b: {  	[spmem:s3] =	stream.indirect.scatter.add.f32 [tilespmem:s22], [sflag:$0x3], $0x80, s2, s20, $0xb8;
	[tilespmem:$0x1D000] =	vst v63  }
0x18c: {  	_ =	swait.ge [sflag:s17], $0x4000  }
0x18d: {  	[sflag:s17] =	ssyncset.done $0x0  }
0x18e: {  	s6 =	simm.s32 $0x480;
	[sflag:s17] =	ssyncadd.s32 $0xFFFFC000  }
0x18f: {  	[tilespmem:s22], [sflag:$0x2] =	stream.indirect.gather [hbm4b:s5+s20], $0x80, s6, s20, $0xb8;
	[tilespmem:$0x1D000] =	vst v63  }
0x190: {  	_ =	swait.ge [sflag:s19], $0x4000  }
0x191: {  	[sflag:s19] =	ssyncset.done $0x0  }
0x192: {  	s6 =	simm.s32 $0xC00;
	[sflag:s19] =	ssyncadd.s32 $0xFFFFC000  }
0x193: {  	[spmem:s3] =	stream.indirect.scatter.add.f32 [tilespmem:s21], [sflag:$0x3], $0x80, s6, s20, $0xb8;
	[tilespmem:$0x1D000] =	vst v63  }
0x194: {  	_ =	swait.ge [sflag:s17], $0x4000  }
0x195: {  	[sflag:s17] =	ssyncset.done $0x0  }
0x196: {  	s6 =	simm.s32 $0x500;
	[sflag:s17] =	ssyncadd.s32 $0xFFFFC000  }
0x197: {  	[tilespmem:s21], [sflag:$0x1] =	stream.indirect.gather [hbm4b:s5+s20], $0x80, s6, s20, $0xb8;
	[tilespmem:$0x1D000] =	vst v63  }
0x198: {  	_ =	swait.ge [sflag:s24], $0x4000  }
0x199: {  	[sflag:s24] =	ssyncset.done $0x0  }
0x19a: {  	s6 =	simm.s32 $0xC80;
	[sflag:s24] =	ssyncadd.s32 $0xFFFFC000  }
0x19b: {  	[spmem:s3] =	stream.indirect.scatter.add.f32 [tilespmem:s22], [sflag:$0x3], $0x80, s6, s20, $0xb8;
	[tilespmem:$0x1D000] =	vst v63  }
0x19c: {  	_ =	swait.ge [sflag:s17], $0x4000  }
0x19d: {  	[sflag:s17] =	ssyncset.done $0x0  }
0x19e: {  	s6 =	simm.s32 $0x580;
	[sflag:s17] =	ssyncadd.s32 $0xFFFFC000  }
0x19f: {  	[tilespmem:s22], [sflag:$0x2] =	stream.indirect.gather [hbm4b:s5+s20], $0x80, s6, s20, $0xb8;
	[tilespmem:$0x1D000] =	vst v63  }
0x1a0: {  	_ =	swait.ge [sflag:s19], $0x4000  }
0x1a1: {  	[sflag:s19] =	ssyncset.done $0x0  }
0x1a2: {  	s6 =	simm.s32 $0xD00;
	[sflag:s19] =	ssyncadd.s32 $0xFFFFC000  }
0x1a3: {  	[spmem:s3] =	stream.indirect.scatter.add.f32 [tilespmem:s21], [sflag:$0x3], $0x80, s6, s20, $0xb8;
	[tilespmem:$0x1D000] =	vst v63  }
0x1a4: {  	_ =	swait.ge [sflag:s17], $0x4000  }
0x1a5: {  	[sflag:s17] =	ssyncset.done $0x0  }
0x1a6: {  	s6 =	simm.s32 $0x600;
	[sflag:s17] =	ssyncadd.s32 $0xFFFFC000  }
0x1a7: {  	[tilespmem:s21], [sflag:$0x1] =	stream.indirect.gather [hbm4b:s5+s20], $0x80, s6, s20, $0xb8;
	[tilespmem:$0x1D000] =	vst v63  }
0x1a8: {  	_ =	swait.ge [sflag:s24], $0x4000  }
0x1a9: {  	[sflag:s24] =	ssyncset.done $0x0  }
0x1aa: {  	s6 =	simm.s32 $0xD80;
	[sflag:s24] =	ssyncadd.s32 $0xFFFFC000  }
0x1ab: {  	[spmem:s3] =	stream.indirect.scatter.add.f32 [tilespmem:s22], [sflag:$0x3], $0x80, s6, s20, $0xb8;
	[tilespmem:$0x1D000] =	vst v63  }
0x1ac: {  	_ =	swait.ge [sflag:s17], $0x4000  }
0x1ad: {  	[sflag:s17] =	ssyncset.done $0x0  }
0x1ae: {  	s6 =	simm.s32 $0x680;
	[sflag:s17] =	ssyncadd.s32 $0xFFFFC000  }
0x1af: {  	[tilespmem:s22], [sflag:$0x2] =	stream.indirect.gather [hbm4b:s5+s20], $0x80, s6, s20, $0xb8;
	[tilespmem:$0x1D000] =	vst v63  }
0x1b0: {  	_ =	swait.ge [sflag:s19], $0x4000  }
0x1b1: {  	[sflag:s19] =	ssyncset.done $0x0  }
0x1b2: {  	s6 =	simm.s32 $0xE00;
	[sflag:s19] =	ssyncadd.s32 $0xFFFFC000  }
0x1b3: {  	[spmem:s3] =	stream.indirect.scatter.add.f32 [tilespmem:s21], [sflag:$0x3], $0x80, s6, s20, $0xb8;
	[tilespmem:$0x1D000] =	vst v63  }
0x1b4: {  	_ =	swait.ge [sflag:s17], $0x4000  }
0x1b5: {  	[sflag:s17] =	ssyncset.done $0x0  }
0x1b6: {  	s6 =	simm.s32 $0x700;
	[sflag:s17] =	ssyncadd.s32 $0xFFFFC000  }
0x1b7: {  	[tilespmem:s21], [sflag:$0x1] =	stream.indirect.gather [hbm4b:s5+s20], $0x80, s6, s20, $0xb8;
	[tilespmem:$0x1D000] =	vst v63  }
0x1b8: {  	_ =	swait.ge [sflag:s24], $0x4000  }
0x1b9: {  	[sflag:s24] =	ssyncset.done $0x0  }
0x1ba: {  	s6 =	simm.s32 $0xE80;
	[sflag:s24] =	ssyncadd.s32 $0xFFFFC000  }
0x1bb: {  	[spmem:s3] =	stream.indirect.scatter.add.f32 [tilespmem:s22], [sflag:$0x3], $0x80, s6, s20, $0xb8;
	[tilespmem:$0x1D000] =	vst v63  }
0x1bc: {  	_ =	swait.ge [sflag:s17], $0x4000  }
0x1bd: {  	[sflag:s17] =	ssyncset.done $0x0  }
0x1be: {  	s6 =	simm.s32 $0x780;
	[sflag:s17] =	ssyncadd.s32 $0xFFFFC000  }
0x1bf: {  	[tilespmem:s22], [sflag:$0x2] =	stream.indirect.gather [hbm4b:s5+s20], $0x80, s6, s20, $0xb8;
	[tilespmem:$0x1D000] =	vst v63  }
0x1c0: {  	_ =	swait.ge [sflag:s19], $0x4000  }
0x1c1: {  	[sflag:s19] =	ssyncset.done $0x0  }
0x1c2: {  	s6 =	simm.s32 $0xF00;
	[sflag:s19] =	ssyncadd.s32 $0xFFFFC000  }
0x1c3: {  	[spmem:s3] =	stream.indirect.scatter.add.f32 [tilespmem:s21], [sflag:$0x3], $0x80, s6, s20, $0xb8;
	[tilespmem:$0x1D000] =	vst v63  }
0x1c4: {  	_ =	swait.ge [sflag:s17], $0x4000  }
0x1c5: {  	[sflag:s17] =	ssyncset.done $0x0  }
0x1c6: {  	[sflag:s17] =	ssyncadd.s32 $0xFFFFC000  }
.Ltmp3:
0x1c7: {  	_ =	swait.ge [sflag:s24], $0x4000;
	(pc) =	sbr.rel @p1 .LBB2_6-.Ltmp3, $4  }
0x1c8: {  	[sflag:s24] =	ssyncset.done $0x0  }
0x1c9: {  	s6 =	simm.s32 $0xF80;
	[sflag:s24] =	ssyncadd.s32 $0xFFFFC000  }
0x1ca: {  	[spmem:s3] =	stream.indirect.scatter.add.f32 [tilespmem:s22], [sflag:$0x3], $0x80, s6, s20, $0xb8;
	[tilespmem:$0x1D000] =	vst v63  }
0x1cb: {  	p2 =	seq.s32 s9, $0x0;
	_ =	swait.ge [sflag:s17], $0x4000  }
.Ltmp4:
0x1cc: {  	_ = 	snop;
	(pc) =	sbr.rel .LBB2_7-.Ltmp4, $1  }
0x1cd: {  	_ =	sdelay $0x3  }
.LBB2_2:
0x1ce: {  	s6 =	rddreg [dreg:$0x7]  }
0x1cf: {  	s7 =	rddreg [dreg:$0xb]  }
0x1d0: {  	[spmem:s9], [sflag:s7] =	dma.local [hbm:s6], $0x2800  }
0x1d1: {  	s6 =	simm.s32 $0x0  }
0x1d2: {  	[tilespmem:s6], [sflag:$0x3] =	stream.linear.gather [hbm4b:s10+s6], $0x800, $0x38;
	[tilespmem:$0x1D000] =	vst v63  }
0x1d3: {  	_ =	swait.ge [sflag:s17], $0x800  }
0x1d4: {  	[sflag:s17] =	ssyncset.done $0x0  }
0x1d5: {  	[sflag:s17] =	ssyncadd.s32 $0xFFFFF800  }
0x1d6: {  	[tilespmem:s15], [sflag:$0x3] =	stream.linear.gather [hbm4b:s11+s6], $0x800, $0x38;
	[tilespmem:$0x1D000] =	vst v63  }
0x1d7: {  	_ =	swait.ge [sflag:s17], $0x800  }
0x1d8: {  	[sflag:s17] =	ssyncset.done $0x0  }
0x1d9: {  	[sflag:s17] =	ssyncadd.s32 $0xFFFFF800  }
0x1da: {  	_ =	swait.ge [sflag:s19], $0x2800  }
0x1db: {  	p1 =	por $0x1, $0x1;
	[sflag:s19] =	ssyncset.done $0x0  }
0x1dc: {  	s12 =	sadd.s32 @!p1 $0x0, s10;
	[sflag:s19] =	ssyncadd.s32 $0xFFFFD800  }
0x1dd: {  	s0 =	simm.s32 @!p1 $0x0;
	s9 =	simm.s32 @!p1 $0x3;
	[bflag:$0x0] =	sbarrier.arrive $0xFFFF  }
0x1de: {  	[tilespmem:s0], [sflag:$0x3] =	stream.linear.gather @!p1 [hbm4b:s12+s0], $0x800, $0x38;
	[tilespmem:$0x1D000] =	vst v63  }
0x1df: {  	_ =	swait.ge @!p1 [sflag:s9], $0x800  }
0x1e0: {  	[sflag:s9] =	ssyncset.done @!p1 $0x0  }
0x1e1: {  	s2 =	sadd.s32 @!p1 $0x0, s11;
	s12 =	simm.s32 @!p1 $0x800;
	[sflag:s9] =	ssyncadd.s32 @!p1 $0xFFFFF800  }
0x1e2: {  	[tilespmem:s12], [sflag:$0x3] =	stream.linear.gather @!p1 [hbm4b:s2+s0], $0x800, $0x38;
	[tilespmem:$0x1D000] =	vst v63  }
0x1e3: {  	_ =	swait.ge @!p1 [sflag:s9], $0x800  }
0x1e4: {  	[sflag:s9] =	ssyncset.done @!p1 $0x0  }
0x1e5: {  	[sflag:s9] =	ssyncadd.s32 @!p1 $0xFFFFF800  }
0x1e6: {  	[tilespmem:s21], [sflag:$0x1] =	stream.indirect.gather [hbm4b:s1+s20], $0x80, s13, s20, $0xb8;
	[tilespmem:$0x1D000] =	vst v63  }
0x1e7: {  	_ = 	snop  }
0x1e8: {  	[tilespmem:s22], [sflag:$0x2] =	stream.indirect.gather [hbm4b:s1+s20], $0x80, s20, s20, $0xb8;
	[tilespmem:$0x1D000] =	vst v63  }
0x1e9: {  	_ =	swait.ge [sflag:s19], $0x4000  }
0x1ea: {  	[sflag:s19] =	ssyncset.done $0x0  }
0x1eb: {  	[sflag:s19] =	ssyncadd.s32 $0xFFFFC000  }
0x1ec: {  	[spmem:s3] =	stream.indirect.scatter.add.f32 [tilespmem:s21], [sflag:$0x3], $0x80, s15, s20, $0xb8;
	[tilespmem:$0x1D000] =	vst v63  }
0x1ed: {  	_ =	swait.ge [sflag:s17], $0x4000  }
0x1ee: {  	[sflag:s17] =	ssyncset.done $0x0  }
0x1ef: {  	s14 =	simm.s32 $0x100;
	[sflag:s17] =	ssyncadd.s32 $0xFFFFC000  }
0x1f0: {  	[tilespmem:s21], [sflag:$0x1] =	stream.indirect.gather [hbm4b:s1+s20], $0x80, s14, s20, $0xb8;
	[tilespmem:$0x1D000] =	vst v63  }
0x1f1: {  	_ =	swait.ge [sflag:s24], $0x4000  }
0x1f2: {  	[sflag:s24] =	ssyncset.done $0x0  }
0x1f3: {  	s8 =	simm.s32 $0x880;
	[sflag:s24] =	ssyncadd.s32 $0xFFFFC000  }
0x1f4: {  	[spmem:s3] =	stream.indirect.scatter.add.f32 [tilespmem:s22], [sflag:$0x3], $0x80, s8, s20, $0xb8;
	[tilespmem:$0x1D000] =	vst v63  }
0x1f5: {  	_ =	swait.ge [sflag:s17], $0x4000  }
0x1f6: {  	[sflag:s17] =	ssyncset.done $0x0  }
0x1f7: {  	s16 =	simm.s32 $0x180;
	[sflag:s17] =	ssyncadd.s32 $0xFFFFC000  }
0x1f8: {  	[tilespmem:s22], [sflag:$0x2] =	stream.indirect.gather [hbm4b:s1+s20], $0x80, s16, s20, $0xb8;
	[tilespmem:$0x1D000] =	vst v63  }
0x1f9: {  	_ =	swait.ge [sflag:s19], $0x4000  }
0x1fa: {  	[sflag:s19] =	ssyncset.done $0x0  }
0x1fb: {  	s4 =	simm.s32 $0x900;
	[sflag:s19] =	ssyncadd.s32 $0xFFFFC000  }
0x1fc: {  	[spmem:s3] =	stream.indirect.scatter.add.f32 [tilespmem:s21], [sflag:$0x3], $0x80, s4, s20, $0xb8;
	[tilespmem:$0x1D000] =	vst v63  }
0x1fd: {  	_ =	swait.ge [sflag:s17], $0x4000  }
0x1fe: {  	[sflag:s17] =	ssyncset.done $0x0  }
0x1ff: {  	s18 =	simm.s32 $0x200;
	[sflag:s17] =	ssyncadd.s32 $0xFFFFC000  }
0x200: {  	[tilespmem:s21], [sflag:$0x1] =	stream.indirect.gather [hbm4b:s1+s20], $0x80, s18, s20, $0xb8;
	[tilespmem:$0x1D000] =	vst v63  }
0x201: {  	_ =	swait.ge [sflag:s24], $0x4000  }
0x202: {  	[sflag:s24] =	ssyncset.done $0x0  }
0x203: {  	s23 =	simm.s32 $0x980;
	[sflag:s24] =	ssyncadd.s32 $0xFFFFC000  }
0x204: {  	[spmem:s3] =	stream.indirect.scatter.add.f32 [tilespmem:s22], [sflag:$0x3], $0x80, s23, s20, $0xb8;
	[tilespmem:$0x1D000] =	vst v63  }
0x205: {  	_ =	swait.ge [sflag:s17], $0x4000  }
0x206: {  	[sflag:s17] =	ssyncset.done $0x0  }
0x207: {  	s25 =	simm.s32 $0x280;
	[sflag:s17] =	ssyncadd.s32 $0xFFFFC000  }
0x208: {  	[tilespmem:s22], [sflag:$0x2] =	stream.indirect.gather [hbm4b:s1+s20], $0x80, s25, s20, $0xb8;
	[tilespmem:$0x1D000] =	vst v63  }
0x209: {  	_ =	swait.ge [sflag:s19], $0x4000  }
0x20a: {  	[sflag:s19] =	ssyncset.done $0x0  }
0x20b: {  	s26 =	simm.s32 $0xA00;
	[sflag:s19] =	ssyncadd.s32 $0xFFFFC000  }
0x20c: {  	[spmem:s3] =	stream.indirect.scatter.add.f32 [tilespmem:s21], [sflag:$0x3], $0x80, s26, s20, $0xb8;
	[tilespmem:$0x1D000] =	vst v63  }
0x20d: {  	_ =	swait.ge [sflag:s17], $0x4000  }
0x20e: {  	[sflag:s17] =	ssyncset.done $0x0  }
0x20f: {  	s28 =	simm.s32 $0x300;
	[sflag:s17] =	ssyncadd.s32 $0xFFFFC000  }
0x210: {  	[tilespmem:s21], [sflag:$0x1] =	stream.indirect.gather [hbm4b:s1+s20], $0x80, s28, s20, $0xb8;
	[tilespmem:$0x1D000] =	vst v63  }
0x211: {  	_ =	swait.ge [sflag:s24], $0x4000  }
0x212: {  	[sflag:s24] =	ssyncset.done $0x0  }
0x213: {  	s29 =	simm.s32 $0xA80;
	[sflag:s24] =	ssyncadd.s32 $0xFFFFC000  }
0x214: {  	[spmem:s3] =	stream.indirect.scatter.add.f32 [tilespmem:s22], [sflag:$0x3], $0x80, s29, s20, $0xb8;
	[tilespmem:$0x1D000] =	vst v63  }
0x215: {  	_ =	swait.ge [sflag:s17], $0x4000  }
0x216: {  	[sflag:s17] =	ssyncset.done $0x0  }
0x217: {  	s30 =	simm.s32 $0x380;
	[sflag:s17] =	ssyncadd.s32 $0xFFFFC000  }
0x218: {  	[tilespmem:s22], [sflag:$0x2] =	stream.indirect.gather [hbm4b:s1+s20], $0x80, s30, s20, $0xb8;
	[tilespmem:$0x1D000] =	vst v63  }
0x219: {  	_ =	swait.ge [sflag:s19], $0x4000  }
0x21a: {  	[sflag:s19] =	ssyncset.done $0x0  }
0x21b: {  	s31 =	simm.s32 $0xB00;
	[sflag:s19] =	ssyncadd.s32 $0xFFFFC000  }
0x21c: {  	[spmem:s3] =	stream.indirect.scatter.add.f32 [tilespmem:s21], [sflag:$0x3], $0x80, s31, s20, $0xb8;
	[tilespmem:$0x1D000] =	vst v63  }
0x21d: {  	_ =	swait.ge [sflag:s17], $0x4000  }
0x21e: {  	[sflag:s17] =	ssyncset.done $0x0  }
0x21f: {  	s0 =	simm.s32 $0x400;
	[sflag:s17] =	ssyncadd.s32 $0xFFFFC000  }
0x220: {  	[tilespmem:s21], [sflag:$0x1] =	stream.indirect.gather [hbm4b:s1+s20], $0x80, s0, s20, $0xb8;
	[tilespmem:$0x1D000] =	vst v63  }
0x221: {  	_ =	swait.ge [sflag:s24], $0x4000  }
0x222: {  	[sflag:s24] =	ssyncset.done $0x0  }
0x223: {  	s2 =	simm.s32 $0xB80;
	[sflag:s24] =	ssyncadd.s32 $0xFFFFC000  }
0x224: {  	[spmem:s3] =	stream.indirect.scatter.add.f32 [tilespmem:s22], [sflag:$0x3], $0x80, s2, s20, $0xb8;
	[tilespmem:$0x1D000] =	vst v63  }
0x225: {  	_ =	swait.ge [sflag:s17], $0x4000  }
0x226: {  	[sflag:s17] =	ssyncset.done $0x0  }
0x227: {  	s7 =	simm.s32 $0x480;
	[sflag:s17] =	ssyncadd.s32 $0xFFFFC000  }
0x228: {  	[tilespmem:s22], [sflag:$0x2] =	stream.indirect.gather [hbm4b:s1+s20], $0x80, s7, s20, $0xb8;
	[tilespmem:$0x1D000] =	vst v63  }
0x229: {  	_ =	swait.ge [sflag:s19], $0x4000  }
0x22a: {  	[sflag:s19] =	ssyncset.done $0x0  }
0x22b: {  	s9 =	simm.s32 $0xC00;
	[sflag:s19] =	ssyncadd.s32 $0xFFFFC000  }
0x22c: {  	[spmem:s3] =	stream.indirect.scatter.add.f32 [tilespmem:s21], [sflag:$0x3], $0x80, s9, s20, $0xb8;
	[tilespmem:$0x1D000] =	vst v63  }
0x22d: {  	_ =	swait.ge [sflag:s17], $0x4000  }
0x22e: {  	[sflag:s17] =	ssyncset.done $0x0  }
0x22f: {  	s12 =	simm.s32 $0x500;
	[sflag:s17] =	ssyncadd.s32 $0xFFFFC000  }
0x230: {  	[tilespmem:s21], [sflag:$0x1] =	stream.indirect.gather [hbm4b:s1+s20], $0x80, s12, s20, $0xb8;
	[tilespmem:$0x1D000] =	vst v63  }
0x231: {  	_ =	swait.ge [sflag:s24], $0x4000  }
0x232: {  	[sflag:s24] =	ssyncset.done $0x0  }
0x233: {  	s13 =	simm.s32 $0xC80;
	[sflag:s24] =	ssyncadd.s32 $0xFFFFC000  }
0x234: {  	[spmem:s3] =	stream.indirect.scatter.add.f32 [tilespmem:s22], [sflag:$0x3], $0x80, s13, s20, $0xb8;
	[tilespmem:$0x1D000] =	vst v63  }
0x235: {  	_ =	swait.ge [sflag:s17], $0x4000  }
0x236: {  	[sflag:s17] =	ssyncset.done $0x0  }
0x237: {  	s15 =	simm.s32 $0x580;
	[sflag:s17] =	ssyncadd.s32 $0xFFFFC000  }
0x238: {  	[tilespmem:s22], [sflag:$0x2] =	stream.indirect.gather [hbm4b:s1+s20], $0x80, s15, s20, $0xb8;
	[tilespmem:$0x1D000] =	vst v63  }
0x239: {  	_ =	swait.ge [sflag:s19], $0x4000  }
0x23a: {  	[sflag:s19] =	ssyncset.done $0x0  }
0x23b: {  	s7 =	simm.s32 $0xD00;
	[sflag:s19] =	ssyncadd.s32 $0xFFFFC000  }
0x23c: {  	[spmem:s3] =	stream.indirect.scatter.add.f32 [tilespmem:s21], [sflag:$0x3], $0x80, s7, s20, $0xb8;
	[tilespmem:$0x1D000] =	vst v63  }
0x23d: {  	_ =	swait.ge [sflag:s17], $0x4000  }
0x23e: {  	[sflag:s17] =	ssyncset.done $0x0  }
0x23f: {  	s9 =	simm.s32 $0x600;
	[sflag:s17] =	ssyncadd.s32 $0xFFFFC000  }
0x240: {  	[tilespmem:s21], [sflag:$0x1] =	stream.indirect.gather [hbm4b:s1+s20], $0x80, s9, s20, $0xb8;
	[tilespmem:$0x1D000] =	vst v63  }
0x241: {  	_ =	swait.ge [sflag:s24], $0x4000  }
0x242: {  	[sflag:s24] =	ssyncset.done $0x0  }
0x243: {  	s12 =	simm.s32 $0xD80;
	[sflag:s24] =	ssyncadd.s32 $0xFFFFC000  }
0x244: {  	[spmem:s3] =	stream.indirect.scatter.add.f32 [tilespmem:s22], [sflag:$0x3], $0x80, s12, s20, $0xb8;
	[tilespmem:$0x1D000] =	vst v63  }
0x245: {  	_ =	swait.ge [sflag:s17], $0x4000  }
0x246: {  	[sflag:s17] =	ssyncset.done $0x0  }
0x247: {  	s13 =	simm.s32 $0x680;
	[sflag:s17] =	ssyncadd.s32 $0xFFFFC000  }
0x248: {  	[tilespmem:s22], [sflag:$0x2] =	stream.indirect.gather [hbm4b:s1+s20], $0x80, s13, s20, $0xb8;
	[tilespmem:$0x1D000] =	vst v63  }
0x249: {  	_ =	swait.ge [sflag:s19], $0x4000  }
0x24a: {  	[sflag:s19] =	ssyncset.done $0x0  }
0x24b: {  	s15 =	simm.s32 $0xE00;
	[sflag:s19] =	ssyncadd.s32 $0xFFFFC000  }
0x24c: {  	[spmem:s3] =	stream.indirect.scatter.add.f32 [tilespmem:s21], [sflag:$0x3], $0x80, s15, s20, $0xb8;
	[tilespmem:$0x1D000] =	vst v63  }
0x24d: {  	_ =	swait.ge [sflag:s17], $0x4000  }
0x24e: {  	[sflag:s17] =	ssyncset.done $0x0  }
0x24f: {  	s7 =	simm.s32 $0x700;
	[sflag:s17] =	ssyncadd.s32 $0xFFFFC000  }
0x250: {  	[tilespmem:s21], [sflag:$0x1] =	stream.indirect.gather [hbm4b:s1+s20], $0x80, s7, s20, $0xb8;
	[tilespmem:$0x1D000] =	vst v63  }
0x251: {  	_ =	swait.ge [sflag:s24], $0x4000  }
0x252: {  	[sflag:s24] =	ssyncset.done $0x0  }
0x253: {  	s9 =	simm.s32 $0xE80;
	[sflag:s24] =	ssyncadd.s32 $0xFFFFC000  }
0x254: {  	[spmem:s3] =	stream.indirect.scatter.add.f32 [tilespmem:s22], [sflag:$0x3], $0x80, s9, s20, $0xb8;
	[tilespmem:$0x1D000] =	vst v63  }
0x255: {  	_ =	swait.ge [sflag:s17], $0x4000  }
0x256: {  	[sflag:s17] =	ssyncset.done $0x0  }
0x257: {  	s12 =	simm.s32 $0x780;
	[sflag:s17] =	ssyncadd.s32 $0xFFFFC000  }
0x258: {  	[tilespmem:s22], [sflag:$0x2] =	stream.indirect.gather [hbm4b:s1+s20], $0x80, s12, s20, $0xb8;
	[tilespmem:$0x1D000] =	vst v63  }
0x259: {  	_ =	swait.ge [sflag:s19], $0x4000  }
0x25a: {  	[sflag:s19] =	ssyncset.done $0x0  }
0x25b: {  	s13 =	simm.s32 $0xF00;
	[sflag:s19] =	ssyncadd.s32 $0xFFFFC000  }
0x25c: {  	[spmem:s3] =	stream.indirect.scatter.add.f32 [tilespmem:s21], [sflag:$0x3], $0x80, s13, s20, $0xb8;
	[tilespmem:$0x1D000] =	vst v63  }
0x25d: {  	_ =	swait.ge [sflag:s17], $0x4000  }
0x25e: {  	[sflag:s17] =	ssyncset.done $0x0  }
0x25f: {  	[sflag:s17] =	ssyncadd.s32 $0xFFFFC000  }
0x260: {  	_ =	swait.ge [sflag:s24], $0x4000  }
0x261: {  	[sflag:s24] =	ssyncset.done $0x0  }
0x262: {  	p2 =	por $0x0, $0x0;
	s15 =	simm.s32 $0xF80;
	[sflag:s24] =	ssyncadd.s32 $0xFFFFC000  }
0x263: {  	[spmem:s3] =	stream.indirect.scatter.add.f32 [tilespmem:s22], [sflag:$0x3], $0x80, s15, s20, $0xb8;
	[tilespmem:$0x1D000] =	vst v63  }
0x264: {  	s9 =	simm.s32 $0x100;
	s12 =	simm.s32 $0x200;
	_ =	swait.ge [sflag:s17], $0x4000  }
.LBB2_3:
0x265: {  	s6 =	sadd.s32 @!p2 s9, s10  }
0x266: {  	s7 =	simm.s32 @!p2 $0x0;
	[sflag:s17] =	ssyncset.done $0x0;
	s13 =	smov.u32 s12  }
0x267: {  	s12 =	sadd.s32 $0x100, s12;
	s15 =	simm.s32 @!p2 $0x3;
	[sflag:s17] =	ssyncadd.s32 $0xFFFFC000  }
0x268: {  	[tilespmem:s7], [sflag:$0x3] =	stream.linear.gather @!p2 [hbm4b:s6+s7], $0x800, $0x38;
	[tilespmem:$0x1D000] =	vst v63  }
0x269: {  	p1 =	seq.s32 s12, $0x500;
	_ =	swait.ge @!p2 [sflag:s15], $0x800  }
0x26a: {  	[sflag:s15] =	ssyncset.done @!p2 $0x0  }
0x26b: {  	s6 =	sadd.s32 @!p2 s9, s11;
	s9 =	simm.s32 @!p2 $0x800;
	[sflag:s15] =	ssyncadd.s32 @!p2 $0xFFFFF800  }
0x26c: {  	[tilespmem:s9], [sflag:$0x3] =	stream.linear.gather @!p2 [hbm4b:s6+s7], $0x800, $0x38;
	[tilespmem:$0x1D000] =	vst v63  }
0x26d: {  	s9 =	smov.u32 s13;
	s13 =	simm.s32 $0x0;
	_ =	swait.ge @!p2 [sflag:s15], $0x800  }
0x26e: {  	[sflag:s15] =	ssyncset.done @!p2 $0x0  }
0x26f: {  	[sflag:s15] =	ssyncadd.s32 @!p2 $0xFFFFF800;
	s15 =	simm.s32 $0x800  }
0x270: {  	[tilespmem:s21], [sflag:$0x1] =	stream.indirect.gather [hbm4b:s1+s20], $0x80, s13, s20, $0xb8;
	[tilespmem:$0x1D000] =	vst v63  }
0x271: {  	_ = 	snop  }
0x272: {  	[tilespmem:s22], [sflag:$0x2] =	stream.indirect.gather [hbm4b:s1+s20], $0x80, s20, s20, $0xb8;
	[tilespmem:$0x1D000] =	vst v63  }
0x273: {  	_ =	swait.ge [sflag:s19], $0x4000  }
0x274: {  	[sflag:s19] =	ssyncset.done $0x0  }
0x275: {  	[sflag:s19] =	ssyncadd.s32 $0xFFFFC000  }
0x276: {  	[spmem:s3] =	stream.indirect.scatter.add.f32 [tilespmem:s21], [sflag:$0x3], $0x80, s15, s20, $0xb8;
	[tilespmem:$0x1D000] =	vst v63  }
0x277: {  	_ =	swait.ge [sflag:s17], $0x4000  }
0x278: {  	[sflag:s17] =	ssyncset.done $0x0  }
0x279: {  	[sflag:s17] =	ssyncadd.s32 $0xFFFFC000  }
0x27a: {  	[tilespmem:s21], [sflag:$0x1] =	stream.indirect.gather [hbm4b:s1+s20], $0x80, s14, s20, $0xb8;
	[tilespmem:$0x1D000] =	vst v63  }
0x27b: {  	_ =	swait.ge [sflag:s24], $0x4000  }
0x27c: {  	[sflag:s24] =	ssyncset.done $0x0  }
0x27d: {  	[sflag:s24] =	ssyncadd.s32 $0xFFFFC000  }
0x27e: {  	[spmem:s3] =	stream.indirect.scatter.add.f32 [tilespmem:s22], [sflag:$0x3], $0x80, s8, s20, $0xb8;
	[tilespmem:$0x1D000] =	vst v63  }
0x27f: {  	_ =	swait.ge [sflag:s17], $0x4000  }
0x280: {  	[sflag:s17] =	ssyncset.done $0x0  }
0x281: {  	[sflag:s17] =	ssyncadd.s32 $0xFFFFC000  }
0x282: {  	[tilespmem:s22], [sflag:$0x2] =	stream.indirect.gather [hbm4b:s1+s20], $0x80, s16, s20, $0xb8;
	[tilespmem:$0x1D000] =	vst v63  }
0x283: {  	_ =	swait.ge [sflag:s19], $0x4000  }
0x284: {  	[sflag:s19] =	ssyncset.done $0x0  }
0x285: {  	[sflag:s19] =	ssyncadd.s32 $0xFFFFC000  }
0x286: {  	[spmem:s3] =	stream.indirect.scatter.add.f32 [tilespmem:s21], [sflag:$0x3], $0x80, s4, s20, $0xb8;
	[tilespmem:$0x1D000] =	vst v63  }
0x287: {  	_ =	swait.ge [sflag:s17], $0x4000  }
0x288: {  	[sflag:s17] =	ssyncset.done $0x0  }
0x289: {  	[sflag:s17] =	ssyncadd.s32 $0xFFFFC000  }
0x28a: {  	[tilespmem:s21], [sflag:$0x1] =	stream.indirect.gather [hbm4b:s1+s20], $0x80, s18, s20, $0xb8;
	[tilespmem:$0x1D000] =	vst v63  }
0x28b: {  	_ =	swait.ge [sflag:s24], $0x4000  }
0x28c: {  	[sflag:s24] =	ssyncset.done $0x0  }
0x28d: {  	[sflag:s24] =	ssyncadd.s32 $0xFFFFC000  }
0x28e: {  	[spmem:s3] =	stream.indirect.scatter.add.f32 [tilespmem:s22], [sflag:$0x3], $0x80, s23, s20, $0xb8;
	[tilespmem:$0x1D000] =	vst v63  }
0x28f: {  	_ =	swait.ge [sflag:s17], $0x4000  }
0x290: {  	[sflag:s17] =	ssyncset.done $0x0  }
0x291: {  	[sflag:s17] =	ssyncadd.s32 $0xFFFFC000  }
0x292: {  	[tilespmem:s22], [sflag:$0x2] =	stream.indirect.gather [hbm4b:s1+s20], $0x80, s25, s20, $0xb8;
	[tilespmem:$0x1D000] =	vst v63  }
0x293: {  	_ =	swait.ge [sflag:s19], $0x4000  }
0x294: {  	[sflag:s19] =	ssyncset.done $0x0  }
0x295: {  	[sflag:s19] =	ssyncadd.s32 $0xFFFFC000  }
0x296: {  	[spmem:s3] =	stream.indirect.scatter.add.f32 [tilespmem:s21], [sflag:$0x3], $0x80, s26, s20, $0xb8;
	[tilespmem:$0x1D000] =	vst v63  }
0x297: {  	_ =	swait.ge [sflag:s17], $0x4000  }
0x298: {  	[sflag:s17] =	ssyncset.done $0x0  }
0x299: {  	[sflag:s17] =	ssyncadd.s32 $0xFFFFC000  }
0x29a: {  	[tilespmem:s21], [sflag:$0x1] =	stream.indirect.gather [hbm4b:s1+s20], $0x80, s28, s20, $0xb8;
	[tilespmem:$0x1D000] =	vst v63  }
0x29b: {  	_ =	swait.ge [sflag:s24], $0x4000  }
0x29c: {  	[sflag:s24] =	ssyncset.done $0x0  }
0x29d: {  	[sflag:s24] =	ssyncadd.s32 $0xFFFFC000  }
0x29e: {  	[spmem:s3] =	stream.indirect.scatter.add.f32 [tilespmem:s22], [sflag:$0x3], $0x80, s29, s20, $0xb8;
	[tilespmem:$0x1D000] =	vst v63  }
0x29f: {  	_ =	swait.ge [sflag:s17], $0x4000  }
0x2a0: {  	[sflag:s17] =	ssyncset.done $0x0  }
0x2a1: {  	[sflag:s17] =	ssyncadd.s32 $0xFFFFC000  }
0x2a2: {  	[tilespmem:s22], [sflag:$0x2] =	stream.indirect.gather [hbm4b:s1+s20], $0x80, s30, s20, $0xb8;
	[tilespmem:$0x1D000] =	vst v63  }
0x2a3: {  	_ =	swait.ge [sflag:s19], $0x4000  }
0x2a4: {  	[sflag:s19] =	ssyncset.done $0x0  }
0x2a5: {  	[sflag:s19] =	ssyncadd.s32 $0xFFFFC000  }
0x2a6: {  	[spmem:s3] =	stream.indirect.scatter.add.f32 [tilespmem:s21], [sflag:$0x3], $0x80, s31, s20, $0xb8;
	[tilespmem:$0x1D000] =	vst v63  }
0x2a7: {  	_ =	swait.ge [sflag:s17], $0x4000  }
0x2a8: {  	[sflag:s17] =	ssyncset.done $0x0  }
0x2a9: {  	[sflag:s17] =	ssyncadd.s32 $0xFFFFC000  }
0x2aa: {  	[tilespmem:s21], [sflag:$0x1] =	stream.indirect.gather [hbm4b:s1+s20], $0x80, s0, s20, $0xb8;
	[tilespmem:$0x1D000] =	vst v63  }
0x2ab: {  	_ =	swait.ge [sflag:s24], $0x4000  }
0x2ac: {  	[sflag:s24] =	ssyncset.done $0x0  }
0x2ad: {  	[sflag:s24] =	ssyncadd.s32 $0xFFFFC000  }
0x2ae: {  	[spmem:s3] =	stream.indirect.scatter.add.f32 [tilespmem:s22], [sflag:$0x3], $0x80, s2, s20, $0xb8;
	[tilespmem:$0x1D000] =	vst v63  }
0x2af: {  	_ =	swait.ge [sflag:s17], $0x4000  }
0x2b0: {  	[sflag:s17] =	ssyncset.done $0x0  }
0x2b1: {  	s6 =	simm.s32 $0x480;
	[sflag:s17] =	ssyncadd.s32 $0xFFFFC000  }
0x2b2: {  	[tilespmem:s22], [sflag:$0x2] =	stream.indirect.gather [hbm4b:s1+s20], $0x80, s6, s20, $0xb8;
	[tilespmem:$0x1D000] =	vst v63  }
0x2b3: {  	_ =	swait.ge [sflag:s19], $0x4000  }
0x2b4: {  	[sflag:s19] =	ssyncset.done $0x0  }
0x2b5: {  	s6 =	simm.s32 $0xC00;
	[sflag:s19] =	ssyncadd.s32 $0xFFFFC000  }
0x2b6: {  	[spmem:s3] =	stream.indirect.scatter.add.f32 [tilespmem:s21], [sflag:$0x3], $0x80, s6, s20, $0xb8;
	[tilespmem:$0x1D000] =	vst v63  }
0x2b7: {  	_ =	swait.ge [sflag:s17], $0x4000  }
0x2b8: {  	[sflag:s17] =	ssyncset.done $0x0  }
0x2b9: {  	s6 =	simm.s32 $0x500;
	[sflag:s17] =	ssyncadd.s32 $0xFFFFC000  }
0x2ba: {  	[tilespmem:s21], [sflag:$0x1] =	stream.indirect.gather [hbm4b:s1+s20], $0x80, s6, s20, $0xb8;
	[tilespmem:$0x1D000] =	vst v63  }
0x2bb: {  	_ =	swait.ge [sflag:s24], $0x4000  }
0x2bc: {  	[sflag:s24] =	ssyncset.done $0x0  }
0x2bd: {  	s6 =	simm.s32 $0xC80;
	[sflag:s24] =	ssyncadd.s32 $0xFFFFC000  }
0x2be: {  	[spmem:s3] =	stream.indirect.scatter.add.f32 [tilespmem:s22], [sflag:$0x3], $0x80, s6, s20, $0xb8;
	[tilespmem:$0x1D000] =	vst v63  }
0x2bf: {  	_ =	swait.ge [sflag:s17], $0x4000  }
0x2c0: {  	[sflag:s17] =	ssyncset.done $0x0  }
0x2c1: {  	s6 =	simm.s32 $0x580;
	[sflag:s17] =	ssyncadd.s32 $0xFFFFC000  }
0x2c2: {  	[tilespmem:s22], [sflag:$0x2] =	stream.indirect.gather [hbm4b:s1+s20], $0x80, s6, s20, $0xb8;
	[tilespmem:$0x1D000] =	vst v63  }
0x2c3: {  	_ =	swait.ge [sflag:s19], $0x4000  }
0x2c4: {  	[sflag:s19] =	ssyncset.done $0x0  }
0x2c5: {  	s6 =	simm.s32 $0xD00;
	[sflag:s19] =	ssyncadd.s32 $0xFFFFC000  }
0x2c6: {  	[spmem:s3] =	stream.indirect.scatter.add.f32 [tilespmem:s21], [sflag:$0x3], $0x80, s6, s20, $0xb8;
	[tilespmem:$0x1D000] =	vst v63  }
0x2c7: {  	_ =	swait.ge [sflag:s17], $0x4000  }
0x2c8: {  	[sflag:s17] =	ssyncset.done $0x0  }
0x2c9: {  	s6 =	simm.s32 $0x600;
	[sflag:s17] =	ssyncadd.s32 $0xFFFFC000  }
0x2ca: {  	[tilespmem:s21], [sflag:$0x1] =	stream.indirect.gather [hbm4b:s1+s20], $0x80, s6, s20, $0xb8;
	[tilespmem:$0x1D000] =	vst v63  }
0x2cb: {  	_ =	swait.ge [sflag:s24], $0x4000  }
0x2cc: {  	[sflag:s24] =	ssyncset.done $0x0  }
0x2cd: {  	s6 =	simm.s32 $0xD80;
	[sflag:s24] =	ssyncadd.s32 $0xFFFFC000  }
0x2ce: {  	[spmem:s3] =	stream.indirect.scatter.add.f32 [tilespmem:s22], [sflag:$0x3], $0x80, s6, s20, $0xb8;
	[tilespmem:$0x1D000] =	vst v63  }
0x2cf: {  	_ =	swait.ge [sflag:s17], $0x4000  }
0x2d0: {  	[sflag:s17] =	ssyncset.done $0x0  }
0x2d1: {  	s6 =	simm.s32 $0x680;
	[sflag:s17] =	ssyncadd.s32 $0xFFFFC000  }
0x2d2: {  	[tilespmem:s22], [sflag:$0x2] =	stream.indirect.gather [hbm4b:s1+s20], $0x80, s6, s20, $0xb8;
	[tilespmem:$0x1D000] =	vst v63  }
0x2d3: {  	_ =	swait.ge [sflag:s19], $0x4000  }
0x2d4: {  	[sflag:s19] =	ssyncset.done $0x0  }
0x2d5: {  	s6 =	simm.s32 $0xE00;
	[sflag:s19] =	ssyncadd.s32 $0xFFFFC000  }
0x2d6: {  	[spmem:s3] =	stream.indirect.scatter.add.f32 [tilespmem:s21], [sflag:$0x3], $0x80, s6, s20, $0xb8;
	[tilespmem:$0x1D000] =	vst v63  }
0x2d7: {  	_ =	swait.ge [sflag:s17], $0x4000  }
0x2d8: {  	[sflag:s17] =	ssyncset.done $0x0  }
0x2d9: {  	s6 =	simm.s32 $0x700;
	[sflag:s17] =	ssyncadd.s32 $0xFFFFC000  }
0x2da: {  	[tilespmem:s21], [sflag:$0x1] =	stream.indirect.gather [hbm4b:s1+s20], $0x80, s6, s20, $0xb8;
	[tilespmem:$0x1D000] =	vst v63  }
0x2db: {  	_ =	swait.ge [sflag:s24], $0x4000  }
0x2dc: {  	[sflag:s24] =	ssyncset.done $0x0  }
0x2dd: {  	s6 =	simm.s32 $0xE80;
	[sflag:s24] =	ssyncadd.s32 $0xFFFFC000  }
0x2de: {  	[spmem:s3] =	stream.indirect.scatter.add.f32 [tilespmem:s22], [sflag:$0x3], $0x80, s6, s20, $0xb8;
	[tilespmem:$0x1D000] =	vst v63  }
0x2df: {  	_ =	swait.ge [sflag:s17], $0x4000  }
0x2e0: {  	[sflag:s17] =	ssyncset.done $0x0  }
0x2e1: {  	s6 =	simm.s32 $0x780;
	[sflag:s17] =	ssyncadd.s32 $0xFFFFC000  }
0x2e2: {  	[tilespmem:s22], [sflag:$0x2] =	stream.indirect.gather [hbm4b:s1+s20], $0x80, s6, s20, $0xb8;
	[tilespmem:$0x1D000] =	vst v63  }
0x2e3: {  	_ =	swait.ge [sflag:s19], $0x4000  }
0x2e4: {  	[sflag:s19] =	ssyncset.done $0x0  }
0x2e5: {  	s6 =	simm.s32 $0xF00;
	[sflag:s19] =	ssyncadd.s32 $0xFFFFC000  }
0x2e6: {  	[spmem:s3] =	stream.indirect.scatter.add.f32 [tilespmem:s21], [sflag:$0x3], $0x80, s6, s20, $0xb8;
	[tilespmem:$0x1D000] =	vst v63  }
0x2e7: {  	_ =	swait.ge [sflag:s17], $0x4000  }
0x2e8: {  	[sflag:s17] =	ssyncset.done $0x0  }
0x2e9: {  	[sflag:s17] =	ssyncadd.s32 $0xFFFFC000  }
.Ltmp5:
0x2ea: {  	_ =	swait.ge [sflag:s24], $0x4000;
	(pc) =	sbr.rel @!p1 .LBB2_3-.Ltmp5, $4  }
0x2eb: {  	[sflag:s24] =	ssyncset.done $0x0  }
0x2ec: {  	s6 =	simm.s32 $0xF80;
	[sflag:s24] =	ssyncadd.s32 $0xFFFFC000  }
0x2ed: {  	[spmem:s3] =	stream.indirect.scatter.add.f32 [tilespmem:s22], [sflag:$0x3], $0x80, s6, s20, $0xb8;
	[tilespmem:$0x1D000] =	vst v63  }
0x2ee: {  	p2 =	seq.s32 s9, $0x0;
	_ =	swait.ge [sflag:s17], $0x4000  }
0x2ef: {  	s6 =	sadd.s32 @!p2 s9, s10;
	[sflag:s17] =	ssyncset.done $0x0  }
0x2f0: {  	s7 =	simm.s32 @!p2 $0x0;
	s12 =	simm.s32 @!p2 $0x3;
	[sflag:s17] =	ssyncadd.s32 $0xFFFFC000  }
0x2f1: {  	[tilespmem:s7], [sflag:$0x3] =	stream.linear.gather @!p2 [hbm4b:s6+s7], $0x800, $0x38;
	[tilespmem:$0x1D000] =	vst v63  }
0x2f2: {  	_ =	swait.ge @!p2 [sflag:s12], $0x800  }
0x2f3: {  	[sflag:s12] =	ssyncset.done @!p2 $0x0  }
0x2f4: {  	s6 =	sadd.s32 @!p2 s9, s11;
	s9 =	simm.s32 @!p2 $0x800;
	[sflag:s12] =	ssyncadd.s32 @!p2 $0xFFFFF800  }
0x2f5: {  	[tilespmem:s9], [sflag:$0x3] =	stream.linear.gather @!p2 [hbm4b:s6+s7], $0x800, $0x38;
	[tilespmem:$0x1D000] =	vst v63  }
0x2f6: {  	_ =	swait.ge @!p2 [sflag:s12], $0x800  }
0x2f7: {  	[sflag:s12] =	ssyncset.done @!p2 $0x0  }
0x2f8: {  	[sflag:s12] =	ssyncadd.s32 @!p2 $0xFFFFF800  }
0x2f9: {  	[tilespmem:s21], [sflag:$0x1] =	stream.indirect.gather [hbm4b:s1+s20], $0x80, s13, s20, $0xb8;
	[tilespmem:$0x1D000] =	vst v63  }
0x2fa: {  	_ = 	snop  }
0x2fb: {  	[tilespmem:s22], [sflag:$0x2] =	stream.indirect.gather [hbm4b:s1+s20], $0x80, s20, s20, $0xb8;
	[tilespmem:$0x1D000] =	vst v63  }
0x2fc: {  	_ =	swait.ge [sflag:s19], $0x4000  }
0x2fd: {  	[sflag:s19] =	ssyncset.done $0x0  }
0x2fe: {  	[sflag:s19] =	ssyncadd.s32 $0xFFFFC000  }
0x2ff: {  	[spmem:s3] =	stream.indirect.scatter.add.f32 [tilespmem:s21], [sflag:$0x3], $0x80, s15, s20, $0xb8;
	[tilespmem:$0x1D000] =	vst v63  }
0x300: {  	_ =	swait.ge [sflag:s17], $0x4000  }
0x301: {  	[sflag:s17] =	ssyncset.done $0x0  }
0x302: {  	[sflag:s17] =	ssyncadd.s32 $0xFFFFC000  }
0x303: {  	[tilespmem:s21], [sflag:$0x1] =	stream.indirect.gather [hbm4b:s1+s20], $0x80, s14, s20, $0xb8;
	[tilespmem:$0x1D000] =	vst v63  }
0x304: {  	_ =	swait.ge [sflag:s24], $0x4000  }
0x305: {  	[sflag:s24] =	ssyncset.done $0x0  }
0x306: {  	[sflag:s24] =	ssyncadd.s32 $0xFFFFC000  }
0x307: {  	[spmem:s3] =	stream.indirect.scatter.add.f32 [tilespmem:s22], [sflag:$0x3], $0x80, s8, s20, $0xb8;
	[tilespmem:$0x1D000] =	vst v63  }
0x308: {  	_ =	swait.ge [sflag:s17], $0x4000  }
0x309: {  	[sflag:s17] =	ssyncset.done $0x0  }
0x30a: {  	[sflag:s17] =	ssyncadd.s32 $0xFFFFC000  }
0x30b: {  	[tilespmem:s22], [sflag:$0x2] =	stream.indirect.gather [hbm4b:s1+s20], $0x80, s16, s20, $0xb8;
	[tilespmem:$0x1D000] =	vst v63  }
0x30c: {  	_ =	swait.ge [sflag:s19], $0x4000  }
0x30d: {  	[sflag:s19] =	ssyncset.done $0x0  }
0x30e: {  	[sflag:s19] =	ssyncadd.s32 $0xFFFFC000  }
0x30f: {  	[spmem:s3] =	stream.indirect.scatter.add.f32 [tilespmem:s21], [sflag:$0x3], $0x80, s4, s20, $0xb8;
	[tilespmem:$0x1D000] =	vst v63  }
0x310: {  	_ =	swait.ge [sflag:s17], $0x4000  }
0x311: {  	[sflag:s17] =	ssyncset.done $0x0  }
0x312: {  	[sflag:s17] =	ssyncadd.s32 $0xFFFFC000  }
0x313: {  	[tilespmem:s21], [sflag:$0x1] =	stream.indirect.gather [hbm4b:s1+s20], $0x80, s18, s20, $0xb8;
	[tilespmem:$0x1D000] =	vst v63  }
0x314: {  	_ =	swait.ge [sflag:s24], $0x4000  }
0x315: {  	[sflag:s24] =	ssyncset.done $0x0  }
0x316: {  	[sflag:s24] =	ssyncadd.s32 $0xFFFFC000  }
0x317: {  	[spmem:s3] =	stream.indirect.scatter.add.f32 [tilespmem:s22], [sflag:$0x3], $0x80, s23, s20, $0xb8;
	[tilespmem:$0x1D000] =	vst v63  }
0x318: {  	_ =	swait.ge [sflag:s17], $0x4000  }
0x319: {  	[sflag:s17] =	ssyncset.done $0x0  }
0x31a: {  	[sflag:s17] =	ssyncadd.s32 $0xFFFFC000  }
0x31b: {  	[tilespmem:s22], [sflag:$0x2] =	stream.indirect.gather [hbm4b:s1+s20], $0x80, s25, s20, $0xb8;
	[tilespmem:$0x1D000] =	vst v63  }
0x31c: {  	_ =	swait.ge [sflag:s19], $0x4000  }
0x31d: {  	[sflag:s19] =	ssyncset.done $0x0  }
0x31e: {  	[sflag:s19] =	ssyncadd.s32 $0xFFFFC000  }
0x31f: {  	[spmem:s3] =	stream.indirect.scatter.add.f32 [tilespmem:s21], [sflag:$0x3], $0x80, s26, s20, $0xb8;
	[tilespmem:$0x1D000] =	vst v63  }
0x320: {  	_ =	swait.ge [sflag:s17], $0x4000  }
0x321: {  	[sflag:s17] =	ssyncset.done $0x0  }
0x322: {  	[sflag:s17] =	ssyncadd.s32 $0xFFFFC000  }
0x323: {  	[tilespmem:s21], [sflag:$0x1] =	stream.indirect.gather [hbm4b:s1+s20], $0x80, s28, s20, $0xb8;
	[tilespmem:$0x1D000] =	vst v63  }
0x324: {  	_ =	swait.ge [sflag:s24], $0x4000  }
0x325: {  	[sflag:s24] =	ssyncset.done $0x0  }
0x326: {  	[sflag:s24] =	ssyncadd.s32 $0xFFFFC000  }
0x327: {  	[spmem:s3] =	stream.indirect.scatter.add.f32 [tilespmem:s22], [sflag:$0x3], $0x80, s29, s20, $0xb8;
	[tilespmem:$0x1D000] =	vst v63  }
0x328: {  	_ =	swait.ge [sflag:s17], $0x4000  }
0x329: {  	[sflag:s17] =	ssyncset.done $0x0  }
0x32a: {  	[sflag:s17] =	ssyncadd.s32 $0xFFFFC000  }
0x32b: {  	[tilespmem:s22], [sflag:$0x2] =	stream.indirect.gather [hbm4b:s1+s20], $0x80, s30, s20, $0xb8;
	[tilespmem:$0x1D000] =	vst v63  }
0x32c: {  	_ =	swait.ge [sflag:s19], $0x4000  }
0x32d: {  	[sflag:s19] =	ssyncset.done $0x0  }
0x32e: {  	[sflag:s19] =	ssyncadd.s32 $0xFFFFC000  }
0x32f: {  	[spmem:s3] =	stream.indirect.scatter.add.f32 [tilespmem:s21], [sflag:$0x3], $0x80, s31, s20, $0xb8;
	[tilespmem:$0x1D000] =	vst v63  }
0x330: {  	_ =	swait.ge [sflag:s17], $0x4000  }
0x331: {  	[sflag:s17] =	ssyncset.done $0x0  }
0x332: {  	[sflag:s17] =	ssyncadd.s32 $0xFFFFC000  }
0x333: {  	[tilespmem:s21], [sflag:$0x1] =	stream.indirect.gather [hbm4b:s1+s20], $0x80, s0, s20, $0xb8;
	[tilespmem:$0x1D000] =	vst v63  }
0x334: {  	_ =	swait.ge [sflag:s24], $0x4000  }
0x335: {  	[sflag:s24] =	ssyncset.done $0x0  }
0x336: {  	[sflag:s24] =	ssyncadd.s32 $0xFFFFC000  }
0x337: {  	[spmem:s3] =	stream.indirect.scatter.add.f32 [tilespmem:s22], [sflag:$0x3], $0x80, s2, s20, $0xb8;
	[tilespmem:$0x1D000] =	vst v63  }
0x338: {  	_ =	swait.ge [sflag:s17], $0x4000  }
0x339: {  	[sflag:s17] =	ssyncset.done $0x0  }
0x33a: {  	s6 =	simm.s32 $0x480;
	[sflag:s17] =	ssyncadd.s32 $0xFFFFC000  }
0x33b: {  	[tilespmem:s22], [sflag:$0x2] =	stream.indirect.gather [hbm4b:s1+s20], $0x80, s6, s20, $0xb8;
	[tilespmem:$0x1D000] =	vst v63  }
0x33c: {  	_ =	swait.ge [sflag:s19], $0x4000  }
0x33d: {  	[sflag:s19] =	ssyncset.done $0x0  }
0x33e: {  	s7 =	simm.s32 $0xC00;
	[sflag:s19] =	ssyncadd.s32 $0xFFFFC000  }
0x33f: {  	[spmem:s3] =	stream.indirect.scatter.add.f32 [tilespmem:s21], [sflag:$0x3], $0x80, s7, s20, $0xb8;
	[tilespmem:$0x1D000] =	vst v63  }
0x340: {  	_ =	swait.ge [sflag:s17], $0x4000  }
0x341: {  	[sflag:s17] =	ssyncset.done $0x0  }
0x342: {  	s8 =	simm.s32 $0x500;
	[sflag:s17] =	ssyncadd.s32 $0xFFFFC000  }
0x343: {  	[tilespmem:s21], [sflag:$0x1] =	stream.indirect.gather [hbm4b:s1+s20], $0x80, s8, s20, $0xb8;
	[tilespmem:$0x1D000] =	vst v63  }
0x344: {  	_ =	swait.ge [sflag:s24], $0x4000  }
0x345: {  	[sflag:s24] =	ssyncset.done $0x0  }
0x346: {  	s9 =	simm.s32 $0xC80;
	[sflag:s24] =	ssyncadd.s32 $0xFFFFC000  }
0x347: {  	[spmem:s3] =	stream.indirect.scatter.add.f32 [tilespmem:s22], [sflag:$0x3], $0x80, s9, s20, $0xb8;
	[tilespmem:$0x1D000] =	vst v63  }
0x348: {  	_ =	swait.ge [sflag:s17], $0x4000  }
0x349: {  	[sflag:s17] =	ssyncset.done $0x0  }
0x34a: {  	s12 =	simm.s32 $0x580;
	[sflag:s17] =	ssyncadd.s32 $0xFFFFC000  }
0x34b: {  	[tilespmem:s22], [sflag:$0x2] =	stream.indirect.gather [hbm4b:s1+s20], $0x80, s12, s20, $0xb8;
	[tilespmem:$0x1D000] =	vst v63  }
0x34c: {  	_ =	swait.ge [sflag:s19], $0x4000  }
0x34d: {  	[sflag:s19] =	ssyncset.done $0x0  }
0x34e: {  	s14 =	simm.s32 $0xD00;
	[sflag:s19] =	ssyncadd.s32 $0xFFFFC000  }
0x34f: {  	[spmem:s3] =	stream.indirect.scatter.add.f32 [tilespmem:s21], [sflag:$0x3], $0x80, s14, s20, $0xb8;
	[tilespmem:$0x1D000] =	vst v63  }
0x350: {  	_ =	swait.ge [sflag:s17], $0x4000  }
0x351: {  	[sflag:s17] =	ssyncset.done $0x0  }
0x352: {  	s16 =	simm.s32 $0x600;
	[sflag:s17] =	ssyncadd.s32 $0xFFFFC000  }
0x353: {  	[tilespmem:s21], [sflag:$0x1] =	stream.indirect.gather [hbm4b:s1+s20], $0x80, s16, s20, $0xb8;
	[tilespmem:$0x1D000] =	vst v63  }
0x354: {  	_ =	swait.ge [sflag:s24], $0x4000  }
0x355: {  	[sflag:s24] =	ssyncset.done $0x0  }
0x356: {  	s18 =	simm.s32 $0xD80;
	[sflag:s24] =	ssyncadd.s32 $0xFFFFC000  }
0x357: {  	[spmem:s3] =	stream.indirect.scatter.add.f32 [tilespmem:s22], [sflag:$0x3], $0x80, s18, s20, $0xb8;
	[tilespmem:$0x1D000] =	vst v63  }
0x358: {  	_ =	swait.ge [sflag:s17], $0x4000  }
0x359: {  	[sflag:s17] =	ssyncset.done $0x0  }
0x35a: {  	s23 =	simm.s32 $0x680;
	[sflag:s17] =	ssyncadd.s32 $0xFFFFC000  }
0x35b: {  	[tilespmem:s22], [sflag:$0x2] =	stream.indirect.gather [hbm4b:s1+s20], $0x80, s23, s20, $0xb8;
	[tilespmem:$0x1D000] =	vst v63  }
0x35c: {  	_ =	swait.ge [sflag:s19], $0x4000  }
0x35d: {  	[sflag:s19] =	ssyncset.done $0x0  }
0x35e: {  	s25 =	simm.s32 $0xE00;
	[sflag:s19] =	ssyncadd.s32 $0xFFFFC000  }
0x35f: {  	[spmem:s3] =	stream.indirect.scatter.add.f32 [tilespmem:s21], [sflag:$0x3], $0x80, s25, s20, $0xb8;
	[tilespmem:$0x1D000] =	vst v63  }
0x360: {  	_ =	swait.ge [sflag:s17], $0x4000  }
0x361: {  	[sflag:s17] =	ssyncset.done $0x0  }
0x362: {  	s26 =	simm.s32 $0x700;
	[sflag:s17] =	ssyncadd.s32 $0xFFFFC000  }
0x363: {  	[tilespmem:s21], [sflag:$0x1] =	stream.indirect.gather [hbm4b:s1+s20], $0x80, s26, s20, $0xb8;
	[tilespmem:$0x1D000] =	vst v63  }
0x364: {  	_ =	swait.ge [sflag:s24], $0x4000  }
0x365: {  	[sflag:s24] =	ssyncset.done $0x0  }
0x366: {  	s28 =	simm.s32 $0xE80;
	[sflag:s24] =	ssyncadd.s32 $0xFFFFC000  }
0x367: {  	[spmem:s3] =	stream.indirect.scatter.add.f32 [tilespmem:s22], [sflag:$0x3], $0x80, s28, s20, $0xb8;
	[tilespmem:$0x1D000] =	vst v63  }
0x368: {  	_ =	swait.ge [sflag:s17], $0x4000  }
0x369: {  	[sflag:s17] =	ssyncset.done $0x0  }
0x36a: {  	s29 =	simm.s32 $0x780;
	[sflag:s17] =	ssyncadd.s32 $0xFFFFC000  }
0x36b: {  	[tilespmem:s22], [sflag:$0x2] =	stream.indirect.gather [hbm4b:s1+s20], $0x80, s29, s20, $0xb8;
	[tilespmem:$0x1D000] =	vst v63  }
0x36c: {  	_ =	swait.ge [sflag:s19], $0x4000  }
0x36d: {  	[sflag:s19] =	ssyncset.done $0x0  }
0x36e: {  	s30 =	simm.s32 $0xF00;
	[sflag:s19] =	ssyncadd.s32 $0xFFFFC000  }
0x36f: {  	[spmem:s3] =	stream.indirect.scatter.add.f32 [tilespmem:s21], [sflag:$0x3], $0x80, s30, s20, $0xb8;
	[tilespmem:$0x1D000] =	vst v63  }
0x370: {  	_ =	swait.ge [sflag:s17], $0x4000  }
0x371: {  	[sflag:s17] =	ssyncset.done $0x0  }
0x372: {  	[sflag:s17] =	ssyncadd.s32 $0xFFFFC000  }
0x373: {  	_ =	swait.ge [sflag:s24], $0x4000  }
0x374: {  	[sflag:s24] =	ssyncset.done $0x0  }
.Ltmp6:
0x375: {  	s31 =	simm.s32 $0xF80;
	[sflag:s24] =	ssyncadd.s32 $0xFFFFC000;
	(pc) =	sbr.rel .LBB2_8-.Ltmp6, $4  }
0x376: {  	[spmem:s3] =	stream.indirect.scatter.add.f32 [tilespmem:s22], [sflag:$0x3], $0x80, s31, s20, $0xb8;
	[tilespmem:$0x1D000] =	vst v63  }
0x377: {  	_ =	swait.ge [sflag:s17], $0x4000  }
0x378: {  	[sflag:s17] =	ssyncset.done $0x0;
	s9 =	rddreg [dreg:$0x4]  }
0x379: {  	s0 =	rddreg [dreg:$0xd];
	[sflag:s17] =	ssyncadd.s32 $0xFFFFC000  }
.LBB2_9:
0x37a: {  	_ =	sfence.sel $0x180000  }
0x37b: {  	[bflag:$0x0] =	sbarrier.arrive $0xFFFF  }
0x37c: {  	_ =	strace $0x9000004A  }
0x37d: {  	s0 =	stileid.u32;
	[bflag:$0x2] =	sbarrier.arrive $0xFFFF  }
0x37e: {  	p0 =	sne.s32 s0, $0x0;
	s0 =	rddreg [dreg:$0x3]  }
0x37f: {  	s0 =	sadd.s32 @!p0 $0x100000, s0  }
0x380: {  	[sflag:s0] =	ssyncadd.tile.s32 @!p0 $0x1;
	_ =	shalt  }
.Lfunc_end2:
_tile_overlayer_lowered:
.L_overlay_start_2:
0x381: {  	(tag) =	ssettag $0x2  }
0x382: {  	s0 =	rddreg [dreg:$0x0];
	s2 =	stileid.u32  }
0x383: {  	s1 =	rddreg [dreg:$0x1];
	p0 =	sne.s32 s2, $0x0  }
0x384: {  	s3 =	rddreg [dreg:$0x2];
	[bflag:$0x3] =	sbarrier.arrive $0xFFFF;
	s2 =	simm.s32 @!p0 $0x1C03  }
0x385: {  	[timem:s3], [sflag:s2] =	dma.local @!p0 [hbm:s0], s1  }
0x386: {  	s0 =	simm.s32 @!p0 $0x3  }
0x387: {  	_ =	swait.ge @!p0 [sflag:s0], s1  }
0x388: {  	s1 =	ssub.s32 @!p0 $0x0, s1;
	[sflag:s0] =	ssyncset.done @!p0 $0x0  }
0x389: {  	[sflag:s0] =	ssyncadd.s32 @!p0 s1  }
0x38a: {  	[bflag:$0x3] =	sbarrier.arrive $0xFFFF  }
0x38b: {  	_ =	shalt  }

</sc_bundles>
